<compile_context>
chip_gen: v7x
topology: tpu7x:2x2x1
jax: 0.10.2.dev20260603
libtpu: 0.0.44.dev20260713+nightly
codegen_flags: <defaults>
</compile_context>

<pallas_src>
import functools

import jax
import jax.numpy as jnp
from jax import lax
from jax.experimental import pallas as pl
from jax.experimental.pallas import tpu as pltpu
from jax.experimental.pallas import tpu_sc as plsc

_NUM_E = 8192
_DIM = 256
_M = 16 * 1024
_BLK = 512
_CHUNK = 512
_N_CHUNKS = _NUM_E // _CHUNK


_WINDOW_BOUNDS = (2736, 5472)


def _argmin_body(x_ref, x2_ref, emb_ref, e2_ref, idx_ref, loss_ref):
    x = (x_ref[...] * 2.0).astype(jnp.bfloat16)
    x2 = x2_ref[...]
    inf = jnp.float32(jnp.inf)
    big = jnp.float32(3.0e38)

    col0 = lax.broadcasted_iota(jnp.int32, (_BLK, _CHUNK), 1).astype(jnp.float32)

    def minarg(d, base):
        m = jnp.min(d, axis=1, keepdims=True)
        cand = jnp.min(jnp.where(d == m, col0, big), axis=1, keepdims=True)
        return m, cand + jnp.float32(base)

    def combine(v, i, m, cand):
        upd = m < v
        return jnp.where(upd, m, v), jnp.where(upd, cand, i)

    cur_v = jnp.full((_BLK, 1), inf, jnp.float32)
    cur_i = jnp.zeros((_BLK, 1), jnp.float32)
    acc_v = jnp.full((_BLK, 1), inf, jnp.float32)
    acc_i = jnp.zeros((_BLK, 1), jnp.float32)
    loss_v = jnp.zeros((_BLK, 1), jnp.float32)

    def fold(acc_v, acc_i, loss_v, wv, wi):
        win = wv < acc_v
        acc_v = jnp.where(win, wv, acc_v).astype(jnp.bfloat16).astype(jnp.float32)
        acc_i = jnp.where(win, wi, acc_i)
        loss_v = jnp.where(win, wv, loss_v)
        return acc_v, acc_i, loss_v

    for c in range(_N_CHUNKS):
        base = c * _CHUNK
        e = emb_ref[pl.ds(base, _CHUNK), :].astype(jnp.bfloat16)
        e2 = e2_ref[:, pl.ds(base, _CHUNK)]
        s2 = lax.dot_general(x, e, (((1,), (1,)), ((), ())),
                             preferred_element_type=jnp.float32)
        d = (x2 + e2) - s2
        bset = [b for b in _WINDOW_BOUNDS if base < b < base + _CHUNK]
        if not bset:
            m, cand = minarg(d, base)
            cur_v, cur_i = combine(cur_v, cur_i, m, cand)
        else:
            lb = jnp.float32(bset[0] - base)
            m, cand = minarg(jnp.where(col0 < lb, d, inf), base)
            cur_v, cur_i = combine(cur_v, cur_i, m, cand)
            acc_v, acc_i, loss_v = fold(acc_v, acc_i, loss_v, cur_v, cur_i)
            cur_v, cur_i = minarg(jnp.where(col0 >= lb, d, inf), base)
    acc_v, acc_i, loss_v = fold(acc_v, acc_i, loss_v, cur_v, cur_i)

    idx_ref[...] = acc_i.astype(jnp.int32)
    loss_ref[...] = jnp.sum(loss_v).reshape(1, 1, 1)


_argmin_call = pl.pallas_call(
    _argmin_body,
    grid=(_M // _BLK,),
    in_specs=[
        pl.BlockSpec((_BLK, _DIM), lambda i: (i, 0)),
        pl.BlockSpec((_BLK, 1), lambda i: (i, 0)),
        pl.BlockSpec((_NUM_E, _DIM), lambda i: (0, 0)),
        pl.BlockSpec((1, _NUM_E), lambda i: (0, 0)),
    ],
    out_specs=[
        pl.BlockSpec((_BLK, 1), lambda i: (i, 0)),
        pl.BlockSpec((1, 1, 1), lambda i: (i, 0, 0)),
    ],
    out_shape=[
        jax.ShapeDtypeStruct((_M, 1), jnp.int32),
        jax.ShapeDtypeStruct((_M // _BLK, 1, 1), jnp.float32),
    ],
    compiler_params=pltpu.CompilerParams(
        dimension_semantics=("arbitrary",),
    ),
)


_NUM_CORES = 2
_NUM_SUBCORES = 16


def _make_gather():
    nw = _NUM_CORES * _NUM_SUBCORES
    per_w = _M // nw
    cb = 128
    n_cb = per_w // cb
    mesh = plsc.VectorSubcoreMesh(core_axis_name="c", subcore_axis_name="s")

    @functools.partial(
        pl.kernel, mesh=mesh,
        out_type=jax.ShapeDtypeStruct((_M, _DIM), jnp.float32),
        scratch_types=[
            pltpu.VMEM((cb,), jnp.int32),
            pltpu.VMEM((cb, _DIM), jnp.float32),
            pltpu.SemaphoreType.DMA,
        ],
    )
    def gather(table_hbm, idx_hbm, out_hbm, idx_v, rows_v, sem):
        wid = lax.axis_index("s") * _NUM_CORES + lax.axis_index("c")
        base = wid * per_w

        def step(c, _):
            off = base + c * cb
            pltpu.sync_copy(idx_hbm.at[pl.ds(off, cb)], idx_v)
            pltpu.async_copy(table_hbm.at[idx_v], rows_v, sem).wait()
            pltpu.sync_copy(rows_v, out_hbm.at[pl.ds(off, cb)])
            return ()

        lax.fori_loop(0, n_cb, step, ())

    return gather


_gather_cache = []


def _gather_call(embedding, idx):
    if not _gather_cache:
        _gather_cache.append(_make_gather())
    return _gather_cache[0](embedding, idx)


def kernel(inputs, embedding):
    shape = inputs.shape
    flat = inputs.reshape(-1, _DIM)
    x2 = jnp.sum(flat ** 2, axis=1, keepdims=True)
    e2 = jnp.sum(embedding ** 2, axis=1).reshape(1, _NUM_E)
    idx2d, loss_parts = _argmin_call(flat, x2, embedding, e2)
    idx = idx2d.reshape(-1)
    loss = 2.0 * jnp.sum(loss_parts) / jnp.float32(_M * _DIM)
    quantized = _gather_call(embedding, idx).reshape(shape)
    return (quantized, loss, idx)

# --- scband reference (transcript-rebuilt; emitter-appended) ---
"""Pipeline reference for scband-vector-quantizer-ema-82970178224789 (READ-ONLY COPY).

The authoritative reference and input builder live on the scoring server;
editing this copy changes nothing except your own understanding.
"""

import jax, jax.numpy as jnp
import numpy as np

NUM_EMBEDDINGS = 8192
EMBEDDING_DIM = 256
COMMITMENT_COST = 1.0


def setup_inputs(seed: int = 0) -> dict:
    key = jax.random.key(seed)
    k_in, k_emb = jax.random.split(key)
    inputs = jax.random.normal(k_in, (16, 1024, EMBEDDING_DIM), dtype=jnp.float32)
    embedding = jax.random.normal(k_emb, (NUM_EMBEDDINGS, EMBEDDING_DIM), dtype=jnp.float32) * 0.01
    return {"inputs": inputs, "embedding": embedding}


def reference(inputs, embedding):
    input_shape = inputs.shape
    flat_input = inputs.reshape(-1, EMBEDDING_DIM)
    # squared L2 distances to every codebook entry
    distances = (
        jnp.sum(flat_input ** 2, axis=1, keepdims=True)
        + jnp.sum(embedding ** 2, axis=1)
        - 2.0 * jnp.matmul(flat_input, embedding.T)
    )
    encoding_indices = jnp.argmin(distances, axis=1)
    # equivalent to one-hot(encodings) @ embedding
    quantized = jnp.take(embedding, encoding_indices, axis=0).reshape(input_shape)
    e_latent_loss = jnp.mean((jax.lax.stop_gradient(quantized) - inputs) ** 2)
    q_latent_loss = jnp.mean((quantized - jax.lax.stop_gradient(inputs)) ** 2)
    loss = q_latent_loss + COMMITMENT_COST * e_latent_loss
    # straight-through estimator
    quantized_st = inputs + jax.lax.stop_gradient(quantized - inputs)
    return (quantized_st, loss, encoding_indices)

if __name__ == "__main__":
    import jax
    _d = setup_inputs()
    print(jax.jit(kernel)(*tuple(_d.values())))

</pallas_src>

<mosaic_0001>
#map = affine_map<(d0, d1) -> (0, 0)>
#map1 = affine_map<(d0, d1) -> (0)>
module attributes {stable_mosaic.version = 14 : i64} {
  func.func @gather(%arg0: i32, %arg1: i32, %arg2: memref<8192x256xf32, #tpu.memory_space<hbm>>, %arg3: memref<16384xi32, #tpu.memory_space<hbm>>, %arg4: memref<16384x256xf32, #tpu.memory_space<hbm>>, %arg5: memref<128xi32, #tpu.memory_space<vmem>>, %arg6: memref<128x256xf32, #tpu.memory_space<vmem>>, %arg7: memref<!tpu.dma_semaphore, #tpu.memory_space<semaphore_mem>>) attributes {dimension_semantics = [#tpu.dimension_semantics<core_parallel>, #tpu.dimension_semantics<subcore_parallel>], iteration_bounds = array<i64: 2, 16>, scalar_prefetch = 0 : i64, scratch_operands = 3 : i64, tpu.core_type = #tpu.core_type<sc_vector_subcore>, window_params = [{transform_indices = #map}, {transform_indices = #map1}, {transform_indices = #map}]} {
    %mul3A = arith.constant 2 : i32
    %mul3A_0 = arith.muli %arg1, %mul3A : i32
    %add3A = arith.addi %mul3A_0, %arg0 : i32
    %mul3A_1 = arith.constant 512 : i32
    %mul3A_2 = arith.muli %add3A, %mul3A_1 : i32
    %scan3A = arith.constant 0 : i32
    %scan3A_3 = arith.constant 4 : i32
    %scan3A_4 = arith.addi %scan3A, %scan3A_3 : i32
    %scan3A_5 = arith.constant 1 : i32
    scf.for %scan3A_7 = %scan3A to %scan3A_4 step %scan3A_5  : i32 {
      %mul3A_8 = arith.constant 128 : i32
      %mul3A_9 = arith.muli %scan3A_7, %mul3A_8 : i32
      %add3A_10 = arith.addi %mul3A_2, %mul3A_9 : i32
      "tpu.region"() ({
        %run_scoped3A = tpu.sem_alloc : memref<!tpu.dma_semaphore, #tpu.memory_space<semaphore_mem>>
        %dma_start3A_15 = tpu.memref_slice %arg3[%add3A_10] : memref<16384xi32, #tpu.memory_space<hbm>> -> memref<128xi32, #tpu.memory_space<hbm>>
        %dma_start3A_16 = tpu.memref_slice %arg3[%add3A_10] : memref<16384xi32, #tpu.memory_space<hbm>> -> memref<128xi32, #tpu.memory_space<hbm>>
        tpu.enqueue_dma source(%dma_start3A_16 : memref<128xi32, #tpu.memory_space<hbm>>) target(%arg5 : memref<128xi32, #tpu.memory_space<vmem>>) target_semaphore(%run_scoped3A : memref<!tpu.dma_semaphore, #tpu.memory_space<semaphore_mem>>)
        %dma_wait3A_17 = tpu.memref_slice %arg3[%add3A_10] : memref<16384xi32, #tpu.memory_space<hbm>> -> memref<128xi32, #tpu.memory_space<hbm>>
        %dma_wait3A_18 = tpu.memref_slice %arg3[%add3A_10] : memref<16384xi32, #tpu.memory_space<hbm>> -> memref<128xi32, #tpu.memory_space<hbm>>
        tpu.wait_dma2 semaphore(%run_scoped3A : memref<!tpu.dma_semaphore, #tpu.memory_space<semaphore_mem>>) src(%dma_wait3A_18 : memref<128xi32, #tpu.memory_space<hbm>>) dst(%arg5 : memref<128xi32, #tpu.memory_space<vmem>>)
        tpu.yield
      }) : () -> ()
      %dma_start3A = arith.constant 0 : i32
      %dma_start3A_11 = arith.constant 0 : i32
      %dma_start3A_12 = tpu.memref_slice %arg2[%dma_start3A, %dma_start3A_11] : memref<8192x256xf32, #tpu.memory_space<hbm>> -> memref<8192x256xf32, #tpu.memory_space<hbm>>
      tpu.enqueue_indirect_dma source(%dma_start3A_12 : memref<8192x256xf32, #tpu.memory_space<hbm>>) target(%arg6 : memref<128x256xf32, #tpu.memory_space<vmem>>) offsets(%arg5 : memref<128xi32, #tpu.memory_space<vmem>>) semaphore(%arg7 : memref<!tpu.dma_semaphore, #tpu.memory_space<semaphore_mem>>)
      %dma_wait3A = arith.constant 0 : i32
      %dma_wait3A_13 = arith.constant 0 : i32
      %dma_wait3A_14 = tpu.memref_slice %arg2[%dma_wait3A, %dma_wait3A_13] : memref<8192x256xf32, #tpu.memory_space<hbm>> -> memref<8192x256xf32, #tpu.memory_space<hbm>>
      tpu.wait_indirect_dma semaphore(%arg7 : memref<!tpu.dma_semaphore, #tpu.memory_space<semaphore_mem>>) src(%dma_wait3A_14 : memref<8192x256xf32, #tpu.memory_space<hbm>>) dst(%arg6 : memref<128x256xf32, #tpu.memory_space<vmem>>)
      "tpu.region"() ({
        %run_scoped3A = tpu.sem_alloc : memref<!tpu.dma_semaphore, #tpu.memory_space<semaphore_mem>>
        %dma_start3A_15 = arith.constant 0 : i32
        %dma_start3A_16 = tpu.memref_slice %arg4[%add3A_10, %dma_start3A_15] : memref<16384x256xf32, #tpu.memory_space<hbm>> -> memref<128x256xf32, #tpu.memory_space<hbm>>
        %dma_start3A_17 = arith.constant 0 : i32
        %dma_start3A_18 = tpu.memref_slice %arg4[%add3A_10, %dma_start3A_17] : memref<16384x256xf32, #tpu.memory_space<hbm>> -> memref<128x256xf32, #tpu.memory_space<hbm>>
        tpu.enqueue_dma source(%arg6 : memref<128x256xf32, #tpu.memory_space<vmem>>) target(%dma_start3A_18 : memref<128x256xf32, #tpu.memory_space<hbm>>) target_semaphore(%run_scoped3A : memref<!tpu.dma_semaphore, #tpu.memory_space<semaphore_mem>>)
        %dma_wait3A_19 = arith.constant 0 : i32
        %dma_wait3A_20 = tpu.memref_slice %arg4[%add3A_10, %dma_wait3A_19] : memref<16384x256xf32, #tpu.memory_space<hbm>> -> memref<128x256xf32, #tpu.memory_space<hbm>>
        %dma_wait3A_21 = arith.constant 0 : i32
        %dma_wait3A_22 = tpu.memref_slice %arg4[%add3A_10, %dma_wait3A_21] : memref<16384x256xf32, #tpu.memory_space<hbm>> -> memref<128x256xf32, #tpu.memory_space<hbm>>
        tpu.wait_dma2 semaphore(%run_scoped3A : memref<!tpu.dma_semaphore, #tpu.memory_space<semaphore_mem>>) src(%arg6 : memref<128x256xf32, #tpu.memory_space<vmem>>) dst(%dma_wait3A_22 : memref<128x256xf32, #tpu.memory_space<hbm>>)
        tpu.yield
      }) : () -> ()
    }
    %scan3A_6 = arith.constant 4 : i32
    return
  }
}

module attributes {stable_mosaic.version = 14 : i64} {
  func.func @_argmin_body(%arg0: i32, %arg1: memref<512x256xf32, #tpu.memory_space<vmem>>, %arg2: memref<512x1xf32, #tpu.memory_space<vmem>>, %arg3: memref<8192x256xf32, #tpu.memory_space<vmem>>, %arg4: memref<1x8192xf32, #tpu.memory_space<vmem>>, %arg5: memref<512x1xi32, #tpu.memory_space<vmem>>, %arg6: memref<1x1x1xf32, #tpu.memory_space<vmem>>) attributes {dimension_semantics = [#tpu.dimension_semantics<arbitrary>], iteration_bounds = array<i64: 32>, scalar_prefetch = 0 : i64, scratch_operands = 0 : i64, tpu.core_type = #tpu.core_type<tc>, window_params = [{transform_indices = @transform_0, window_bounds = array<i64: 512, 256>}, {transform_indices = @transform_1, window_bounds = array<i64: 512, 1>}, {pipeline_mode = #tpu.pipeline_mode<synchronous>, transform_indices = @transform_2, window_bounds = array<i64: 8192, 256>}, {pipeline_mode = #tpu.pipeline_mode<synchronous>, transform_indices = @transform_3, window_bounds = array<i64: 1, 8192>}, {transform_indices = @transform_4, window_bounds = array<i64: 512, 1>}, {transform_indices = @transform_5, window_bounds = array<i64: 1, 1, 1>}]} {
    %get3A = arith.constant 0 : index
    %get3A_0 = arith.constant 0 : index
    %get3A_1 = vector.load %arg1[%get3A, %get3A_0] : memref<512x256xf32, #tpu.memory_space<vmem>>, vector<512x256xf32>
    %mul3A = arith.constant 2.000000e+00 : f32
    %mul3A_2 = vector.broadcast %mul3A : f32 to vector<512x256xf32>
    %mul3A_3 = arith.mulf %get3A_1, %mul3A_2 : vector<512x256xf32>
    %convert_element_type3A = arith.truncf %mul3A_3 : vector<512x256xf32> to vector<512x256xbf16>
    %get3A_4 = arith.constant 0 : index
    %get3A_5 = arith.constant 0 : index
    %get3A_6 = vector.load %arg2[%get3A_4, %get3A_5] : memref<512x1xf32, #tpu.memory_space<vmem>>, vector<512x1xf32>
    %iota3A = tpu.iota {dimensions = array<i32: 1>} : vector<512x512xi32>
    %convert_element_type3A_7 = arith.sitofp %iota3A : vector<512x512xi32> to vector<512x512xf32>
    %broadcast_in_dim3A = arith.constant 0x7F800000 : f32
    %broadcast_in_dim3A_8 = vector.broadcast %broadcast_in_dim3A : f32 to vector<512x1xf32>
    %broadcast_in_dim3A_9 = arith.constant 0.000000e+00 : f32
    %broadcast_in_dim3A_10 = vector.broadcast %broadcast_in_dim3A_9 : f32 to vector<512x1xf32>
    %broadcast_in_dim3A_11 = arith.constant 0x7F800000 : f32
    %broadcast_in_dim3A_12 = vector.broadcast %broadcast_in_dim3A_11 : f32 to vector<512x1xf32>
    %broadcast_in_dim3A_13 = arith.constant 0.000000e+00 : f32
    %broadcast_in_dim3A_14 = vector.broadcast %broadcast_in_dim3A_13 : f32 to vector<512x1xf32>
    %broadcast_in_dim3A_15 = arith.constant 0.000000e+00 : f32
    %broadcast_in_dim3A_16 = vector.broadcast %broadcast_in_dim3A_15 : f32 to vector<512x1xf32>
    %get3A_17 = arith.constant 0 : index
    %get3A_18 = arith.constant 0 : index
    %get3A_19 = vector.load %arg3[%get3A_17, %get3A_18] : memref<8192x256xf32, #tpu.memory_space<vmem>>, vector<512x256xf32>
    %convert_element_type3A_20 = arith.truncf %get3A_19 : vector<512x256xf32> to vector<512x256xbf16>
    %get3A_21 = arith.constant 0 : index
    %get3A_22 = arith.constant 0 : index
    %get3A_23 = vector.load %arg4[%get3A_21, %get3A_22] : memref<1x8192xf32, #tpu.memory_space<vmem>>, vector<1x512xf32>
    %dot_general3A = arith.constant dense<0.000000e+00> : vector<512x512xf32>
    %dot_general3A_24 = tpu.matmul %convert_element_type3A, %convert_element_type3A_20, %dot_general3A {dimension_numbers = #tpu.dot_dimension_numbers<[1], [1], [0], [0], [0, 0, 1, 0], [], []>, transpose_lhs_hint = false} : vector<512x256xbf16>, vector<512x256xbf16>, vector<512x512xf32> -> vector<512x512xf32>
    %add3A = vector.broadcast %get3A_6 : vector<512x1xf32> to vector<512x512xf32>
    %add3A_25 = vector.broadcast %get3A_23 : vector<1x512xf32> to vector<512x512xf32>
    %add3A_26 = arith.addf %add3A, %add3A_25 : vector<512x512xf32>
    %sub3A = arith.subf %add3A_26, %dot_general3A_24 : vector<512x512xf32>
    %reduce_min3A = arith.constant dense<0x7F800000> : vector<512xf32>
    %reduce_min3A_27 = vector.multi_reduction <minimumf>, %sub3A, %reduce_min3A [1] : vector<512x512xf32> to vector<512xf32>
    %broadcast_in_dim3A_28 = vector.shape_cast %reduce_min3A_27 : vector<512xf32> to vector<512x1xf32>
    %eq3A = vector.broadcast %broadcast_in_dim3A_28 : vector<512x1xf32> to vector<512x512xf32>
    %eq3A_29 = arith.cmpf oeq, %sub3A, %eq3A : vector<512x512xf32>
    %jit3A = arith.constant 3.000000e+38 : f32
    %broadcast_in_dim3A_30 = vector.broadcast %jit3A : f32 to vector<512x512xf32>
    %select_n3A = arith.select %eq3A_29, %convert_element_type3A_7, %broadcast_in_dim3A_30 : vector<512x512xi1>, vector<512x512xf32>
    %reduce_min3A_31 = arith.constant dense<0x7F800000> : vector<512xf32>
    %reduce_min3A_32 = vector.multi_reduction <minimumf>, %select_n3A, %reduce_min3A_31 [1] : vector<512x512xf32> to vector<512xf32>
    %broadcast_in_dim3A_33 = vector.shape_cast %reduce_min3A_32 : vector<512xf32> to vector<512x1xf32>
    %add3A_34 = arith.constant 0.000000e+00 : f32
    %add3A_35 = vector.broadcast %add3A_34 : f32 to vector<512x1xf32>
    %add3A_36 = arith.addf %broadcast_in_dim3A_33, %add3A_35 : vector<512x1xf32>
    %lt3A = arith.cmpf olt, %broadcast_in_dim3A_28, %broadcast_in_dim3A_8 : vector<512x1xf32>
    %select_n3A_37 = arith.select %lt3A, %broadcast_in_dim3A_28, %broadcast_in_dim3A_8 : vector<512x1xi1>, vector<512x1xf32>
    %select_n3A_38 = arith.select %lt3A, %add3A_36, %broadcast_in_dim3A_10 : vector<512x1xi1>, vector<512x1xf32>
    %get3A_39 = arith.constant 512 : index
    %get3A_40 = arith.constant 0 : index
    %get3A_41 = vector.load %arg3[%get3A_39, %get3A_40] : memref<8192x256xf32, #tpu.memory_space<vmem>>, vector<512x256xf32>
    %convert_element_type3A_42 = arith.truncf %get3A_41 : vector<512x256xf32> to vector<512x256xbf16>
    %get3A_43 = arith.constant 0 : index
    %get3A_44 = arith.constant 512 : index
    %get3A_45 = vector.load %arg4[%get3A_43, %get3A_44] : memref<1x8192xf32, #tpu.memory_space<vmem>>, vector<1x512xf32>
    %dot_general3A_46 = arith.constant dense<0.000000e+00> : vector<512x512xf32>
    %dot_general3A_47 = tpu.matmul %convert_element_type3A, %convert_element_type3A_42, %dot_general3A_46 {dimension_numbers = #tpu.dot_dimension_numbers<[1], [1], [0], [0], [0, 0, 1, 0], [], []>, transpose_lhs_hint = false} : vector<512x256xbf16>, vector<512x256xbf16>, vector<512x512xf32> -> vector<512x512xf32>
    %add3A_48 = vector.broadcast %get3A_6 : vector<512x1xf32> to vector<512x512xf32>
    %add3A_49 = vector.broadcast %get3A_45 : vector<1x512xf32> to vector<512x512xf32>
    %add3A_50 = arith.addf %add3A_48, %add3A_49 : vector<512x512xf32>
    %sub3A_51 = arith.subf %add3A_50, %dot_general3A_47 : vector<512x512xf32>
    %reduce_min3A_52 = arith.constant dense<0x7F800000> : vector<512xf32>
    %reduce_min3A_53 = vector.multi_reduction <minimumf>, %sub3A_51, %reduce_min3A_52 [1] : vector<512x512xf32> to vector<512xf32>
    %broadcast_in_dim3A_54 = vector.shape_cast %reduce_min3A_53 : vector<512xf32> to vector<512x1xf32>
    %eq3A_55 = vector.broadcast %broadcast_in_dim3A_54 : vector<512x1xf32> to vector<512x512xf32>
    %eq3A_56 = arith.cmpf oeq, %sub3A_51, %eq3A_55 : vector<512x512xf32>
    %jit3A_57 = arith.constant 3.000000e+38 : f32
    %broadcast_in_dim3A_58 = vector.broadcast %jit3A_57 : f32 to vector<512x512xf32>
    %select_n3A_59 = arith.select %eq3A_56, %convert_element_type3A_7, %broadcast_in_dim3A_58 : vector<512x512xi1>, vector<512x512xf32>
    %reduce_min3A_60 = arith.constant dense<0x7F800000> : vector<512xf32>
    %reduce_min3A_61 = vector.multi_reduction <minimumf>, %select_n3A_59, %reduce_min3A_60 [1] : vector<512x512xf32> to vector<512xf32>
    %broadcast_in_dim3A_62 = vector.shape_cast %reduce_min3A_61 : vector<512xf32> to vector<512x1xf32>
    %add3A_63 = arith.constant 5.120000e+02 : f32
    %add3A_64 = vector.broadcast %add3A_63 : f32 to vector<512x1xf32>
    %add3A_65 = arith.addf %broadcast_in_dim3A_62, %add3A_64 : vector<512x1xf32>
    %lt3A_66 = arith.cmpf olt, %broadcast_in_dim3A_54, %select_n3A_37 : vector<512x1xf32>
    %select_n3A_67 = arith.select %lt3A_66, %broadcast_in_dim3A_54, %select_n3A_37 : vector<512x1xi1>, vector<512x1xf32>
    %select_n3A_68 = arith.select %lt3A_66, %add3A_65, %select_n3A_38 : vector<512x1xi1>, vector<512x1xf32>
    %get3A_69 = arith.constant 1024 : index
    %get3A_70 = arith.constant 0 : index
    %get3A_71 = vector.load %arg3[%get3A_69, %get3A_70] : memref<8192x256xf32, #tpu.memory_space<vmem>>, vector<512x256xf32>
    %convert_element_type3A_72 = arith.truncf %get3A_71 : vector<512x256xf32> to vector<512x256xbf16>
    %get3A_73 = arith.constant 0 : index
    %get3A_74 = arith.constant 1024 : index
    %get3A_75 = vector.load %arg4[%get3A_73, %get3A_74] : memref<1x8192xf32, #tpu.memory_space<vmem>>, vector<1x512xf32>
    %dot_general3A_76 = arith.constant dense<0.000000e+00> : vector<512x512xf32>
    %dot_general3A_77 = tpu.matmul %convert_element_type3A, %convert_element_type3A_72, %dot_general3A_76 {dimension_numbers = #tpu.dot_dimension_numbers<[1], [1], [0], [0], [0, 0, 1, 0], [], []>, transpose_lhs_hint = false} : vector<512x256xbf16>, vector<512x256xbf16>, vector<512x512xf32> -> vector<512x512xf32>
    %add3A_78 = vector.broadcast %get3A_6 : vector<512x1xf32> to vector<512x512xf32>
    %add3A_79 = vector.broadcast %get3A_75 : vector<1x512xf32> to vector<512x512xf32>
    %add3A_80 = arith.addf %add3A_78, %add3A_79 : vector<512x512xf32>
    %sub3A_81 = arith.subf %add3A_80, %dot_general3A_77 : vector<512x512xf32>
    %reduce_min3A_82 = arith.constant dense<0x7F800000> : vector<512xf32>
    %reduce_min3A_83 = vector.multi_reduction <minimumf>, %sub3A_81, %reduce_min3A_82 [1] : vector<512x512xf32> to vector<512xf32>
    %broadcast_in_dim3A_84 = vector.shape_cast %reduce_min3A_83 : vector<512xf32> to vector<512x1xf32>
    %eq3A_85 = vector.broadcast %broadcast_in_dim3A_84 : vector<512x1xf32> to vector<512x512xf32>
    %eq3A_86 = arith.cmpf oeq, %sub3A_81, %eq3A_85 : vector<512x512xf32>
    %jit3A_87 = arith.constant 3.000000e+38 : f32
    %broadcast_in_dim3A_88 = vector.broadcast %jit3A_87 : f32 to vector<512x512xf32>
    %select_n3A_89 = arith.select %eq3A_86, %convert_element_type3A_7, %broadcast_in_dim3A_88 : vector<512x512xi1>, vector<512x512xf32>
    %reduce_min3A_90 = arith.constant dense<0x7F800000> : vector<512xf32>
    %reduce_min3A_91 = vector.multi_reduction <minimumf>, %select_n3A_89, %reduce_min3A_90 [1] : vector<512x512xf32> to vector<512xf32>
    %broadcast_in_dim3A_92 = vector.shape_cast %reduce_min3A_91 : vector<512xf32> to vector<512x1xf32>
    %add3A_93 = arith.constant 1.024000e+03 : f32
    %add3A_94 = vector.broadcast %add3A_93 : f32 to vector<512x1xf32>
    %add3A_95 = arith.addf %broadcast_in_dim3A_92, %add3A_94 : vector<512x1xf32>
    %lt3A_96 = arith.cmpf olt, %broadcast_in_dim3A_84, %select_n3A_67 : vector<512x1xf32>
    %select_n3A_97 = arith.select %lt3A_96, %broadcast_in_dim3A_84, %select_n3A_67 : vector<512x1xi1>, vector<512x1xf32>
    %select_n3A_98 = arith.select %lt3A_96, %add3A_95, %select_n3A_68 : vector<512x1xi1>, vector<512x1xf32>
    %get3A_99 = arith.constant 1536 : index
    %get3A_100 = arith.constant 0 : index
    %get3A_101 = vector.load %arg3[%get3A_99, %get3A_100] : memref<8192x256xf32, #tpu.memory_space<vmem>>, vector<512x256xf32>
    %convert_element_type3A_102 = arith.truncf %get3A_101 : vector<512x256xf32> to vector<512x256xbf16>
    %get3A_103 = arith.constant 0 : index
    %get3A_104 = arith.constant 1536 : index
    %get3A_105 = vector.load %arg4[%get3A_103, %get3A_104] : memref<1x8192xf32, #tpu.memory_space<vmem>>, vector<1x512xf32>
    %dot_general3A_106 = arith.constant dense<0.000000e+00> : vector<512x512xf32>
    %dot_general3A_107 = tpu.matmul %convert_element_type3A, %convert_element_type3A_102, %dot_general3A_106 {dimension_numbers = #tpu.dot_dimension_numbers<[1], [1], [0], [0], [0, 0, 1, 0], [], []>, transpose_lhs_hint = false} : vector<512x256xbf16>, vector<512x256xbf16>, vector<512x512xf32> -> vector<512x512xf32>
    %add3A_108 = vector.broadcast %get3A_6 : vector<512x1xf32> to vector<512x512xf32>
    %add3A_109 = vector.broadcast %get3A_105 : vector<1x512xf32> to vector<512x512xf32>
    %add3A_110 = arith.addf %add3A_108, %add3A_109 : vector<512x512xf32>
    %sub3A_111 = arith.subf %add3A_110, %dot_general3A_107 : vector<512x512xf32>
    %reduce_min3A_112 = arith.constant dense<0x7F800000> : vector<512xf32>
    %reduce_min3A_113 = vector.multi_reduction <minimumf>, %sub3A_111, %reduce_min3A_112 [1] : vector<512x512xf32> to vector<512xf32>
    %broadcast_in_dim3A_114 = vector.shape_cast %reduce_min3A_113 : vector<512xf32> to vector<512x1xf32>
    %eq3A_115 = vector.broadcast %broadcast_in_dim3A_114 : vector<512x1xf32> to vector<512x512xf32>
    %eq3A_116 = arith.cmpf oeq, %sub3A_111, %eq3A_115 : vector<512x512xf32>
    %jit3A_117 = arith.constant 3.000000e+38 : f32
    %broadcast_in_dim3A_118 = vector.broadcast %jit3A_117 : f32 to vector<512x512xf32>
    %select_n3A_119 = arith.select %eq3A_116, %convert_element_type3A_7, %broadcast_in_dim3A_118 : vector<512x512xi1>, vector<512x512xf32>
    %reduce_min3A_120 = arith.constant dense<0x7F800000> : vector<512xf32>
    %reduce_min3A_121 = vector.multi_reduction <minimumf>, %select_n3A_119, %reduce_min3A_120 [1] : vector<512x512xf32> to vector<512xf32>
    %broadcast_in_dim3A_122 = vector.shape_cast %reduce_min3A_121 : vector<512xf32> to vector<512x1xf32>
    %add3A_123 = arith.constant 1.536000e+03 : f32
    %add3A_124 = vector.broadcast %add3A_123 : f32 to vector<512x1xf32>
    %add3A_125 = arith.addf %broadcast_in_dim3A_122, %add3A_124 : vector<512x1xf32>
    %lt3A_126 = arith.cmpf olt, %broadcast_in_dim3A_114, %select_n3A_97 : vector<512x1xf32>
    %select_n3A_127 = arith.select %lt3A_126, %broadcast_in_dim3A_114, %select_n3A_97 : vector<512x1xi1>, vector<512x1xf32>
    %select_n3A_128 = arith.select %lt3A_126, %add3A_125, %select_n3A_98 : vector<512x1xi1>, vector<512x1xf32>
    %get3A_129 = arith.constant 2048 : index
    %get3A_130 = arith.constant 0 : index
    %get3A_131 = vector.load %arg3[%get3A_129, %get3A_130] : memref<8192x256xf32, #tpu.memory_space<vmem>>, vector<512x256xf32>
    %convert_element_type3A_132 = arith.truncf %get3A_131 : vector<512x256xf32> to vector<512x256xbf16>
    %get3A_133 = arith.constant 0 : index
    %get3A_134 = arith.constant 2048 : index
    %get3A_135 = vector.load %arg4[%get3A_133, %get3A_134] : memref<1x8192xf32, #tpu.memory_space<vmem>>, vector<1x512xf32>
    %dot_general3A_136 = arith.constant dense<0.000000e+00> : vector<512x512xf32>
    %dot_general3A_137 = tpu.matmul %convert_element_type3A, %convert_element_type3A_132, %dot_general3A_136 {dimension_numbers = #tpu.dot_dimension_numbers<[1], [1], [0], [0], [0, 0, 1, 0], [], []>, transpose_lhs_hint = false} : vector<512x256xbf16>, vector<512x256xbf16>, vector<512x512xf32> -> vector<512x512xf32>
    %add3A_138 = vector.broadcast %get3A_6 : vector<512x1xf32> to vector<512x512xf32>
    %add3A_139 = vector.broadcast %get3A_135 : vector<1x512xf32> to vector<512x512xf32>
    %add3A_140 = arith.addf %add3A_138, %add3A_139 : vector<512x512xf32>
    %sub3A_141 = arith.subf %add3A_140, %dot_general3A_137 : vector<512x512xf32>
    %reduce_min3A_142 = arith.constant dense<0x7F800000> : vector<512xf32>
    %reduce_min3A_143 = vector.multi_reduction <minimumf>, %sub3A_141, %reduce_min3A_142 [1] : vector<512x512xf32> to vector<512xf32>
    %broadcast_in_dim3A_144 = vector.shape_cast %reduce_min3A_143 : vector<512xf32> to vector<512x1xf32>
    %eq3A_145 = vector.broadcast %broadcast_in_dim3A_144 : vector<512x1xf32> to vector<512x512xf32>
    %eq3A_146 = arith.cmpf oeq, %sub3A_141, %eq3A_145 : vector<512x512xf32>
    %jit3A_147 = arith.constant 3.000000e+38 : f32
    %broadcast_in_dim3A_148 = vector.broadcast %jit3A_147 : f32 to vector<512x512xf32>
    %select_n3A_149 = arith.select %eq3A_146, %convert_element_type3A_7, %broadcast_in_dim3A_148 : vector<512x512xi1>, vector<512x512xf32>
    %reduce_min3A_150 = arith.constant dense<0x7F800000> : vector<512xf32>
    %reduce_min3A_151 = vector.multi_reduction <minimumf>, %select_n3A_149, %reduce_min3A_150 [1] : vector<512x512xf32> to vector<512xf32>
    %broadcast_in_dim3A_152 = vector.shape_cast %reduce_min3A_151 : vector<512xf32> to vector<512x1xf32>
    %add3A_153 = arith.constant 2.048000e+03 : f32
    %add3A_154 = vector.broadcast %add3A_153 : f32 to vector<512x1xf32>
    %add3A_155 = arith.addf %broadcast_in_dim3A_152, %add3A_154 : vector<512x1xf32>
    %lt3A_156 = arith.cmpf olt, %broadcast_in_dim3A_144, %select_n3A_127 : vector<512x1xf32>
    %select_n3A_157 = arith.select %lt3A_156, %broadcast_in_dim3A_144, %select_n3A_127 : vector<512x1xi1>, vector<512x1xf32>
    %select_n3A_158 = arith.select %lt3A_156, %add3A_155, %select_n3A_128 : vector<512x1xi1>, vector<512x1xf32>
    %get3A_159 = arith.constant 2560 : index
    %get3A_160 = arith.constant 0 : index
    %get3A_161 = vector.load %arg3[%get3A_159, %get3A_160] : memref<8192x256xf32, #tpu.memory_space<vmem>>, vector<512x256xf32>
    %convert_element_type3A_162 = arith.truncf %get3A_161 : vector<512x256xf32> to vector<512x256xbf16>
    %get3A_163 = arith.constant 0 : index
    %get3A_164 = arith.constant 2560 : index
    %get3A_165 = vector.load %arg4[%get3A_163, %get3A_164] : memref<1x8192xf32, #tpu.memory_space<vmem>>, vector<1x512xf32>
    %dot_general3A_166 = arith.constant dense<0.000000e+00> : vector<512x512xf32>
    %dot_general3A_167 = tpu.matmul %convert_element_type3A, %convert_element_type3A_162, %dot_general3A_166 {dimension_numbers = #tpu.dot_dimension_numbers<[1], [1], [0], [0], [0, 0, 1, 0], [], []>, transpose_lhs_hint = false} : vector<512x256xbf16>, vector<512x256xbf16>, vector<512x512xf32> -> vector<512x512xf32>
    %add3A_168 = vector.broadcast %get3A_6 : vector<512x1xf32> to vector<512x512xf32>
    %add3A_169 = vector.broadcast %get3A_165 : vector<1x512xf32> to vector<512x512xf32>
    %add3A_170 = arith.addf %add3A_168, %add3A_169 : vector<512x512xf32>
    %sub3A_171 = arith.subf %add3A_170, %dot_general3A_167 : vector<512x512xf32>
    %lt3A_172 = arith.constant 1.760000e+02 : f32
    %lt3A_173 = vector.broadcast %lt3A_172 : f32 to vector<512x512xf32>
    %lt3A_174 = arith.cmpf olt, %convert_element_type3A_7, %lt3A_173 : vector<512x512xf32>
    %jit3A_175 = arith.constant 0x7F800000 : f32
    %broadcast_in_dim3A_176 = vector.broadcast %jit3A_175 : f32 to vector<512x512xf32>
    %select_n3A_177 = arith.select %lt3A_174, %sub3A_171, %broadcast_in_dim3A_176 : vector<512x512xi1>, vector<512x512xf32>
    %reduce_min3A_178 = arith.constant dense<0x7F800000> : vector<512xf32>
    %reduce_min3A_179 = vector.multi_reduction <minimumf>, %select_n3A_177, %reduce_min3A_178 [1] : vector<512x512xf32> to vector<512xf32>
    %broadcast_in_dim3A_180 = vector.shape_cast %reduce_min3A_179 : vector<512xf32> to vector<512x1xf32>
    %eq3A_181 = vector.broadcast %broadcast_in_dim3A_180 : vector<512x1xf32> to vector<512x512xf32>
    %eq3A_182 = arith.cmpf oeq, %select_n3A_177, %eq3A_181 : vector<512x512xf32>
    %jit3A_183 = arith.constant 3.000000e+38 : f32
    %broadcast_in_dim3A_184 = vector.broadcast %jit3A_183 : f32 to vector<512x512xf32>
    %select_n3A_185 = arith.select %eq3A_182, %convert_element_type3A_7, %broadcast_in_dim3A_184 : vector<512x512xi1>, vector<512x512xf32>
    %reduce_min3A_186 = arith.constant dense<0x7F800000> : vector<512xf32>
    %reduce_min3A_187 = vector.multi_reduction <minimumf>, %select_n3A_185, %reduce_min3A_186 [1] : vector<512x512xf32> to vector<512xf32>
    %broadcast_in_dim3A_188 = vector.shape_cast %reduce_min3A_187 : vector<512xf32> to vector<512x1xf32>
    %add3A_189 = arith.constant 2.560000e+03 : f32
    %add3A_190 = vector.broadcast %add3A_189 : f32 to vector<512x1xf32>
    %add3A_191 = arith.addf %broadcast_in_dim3A_188, %add3A_190 : vector<512x1xf32>
    %lt3A_192 = arith.cmpf olt, %broadcast_in_dim3A_180, %select_n3A_157 : vector<512x1xf32>
    %select_n3A_193 = arith.select %lt3A_192, %broadcast_in_dim3A_180, %select_n3A_157 : vector<512x1xi1>, vector<512x1xf32>
    %select_n3A_194 = arith.select %lt3A_192, %add3A_191, %select_n3A_158 : vector<512x1xi1>, vector<512x1xf32>
    %lt3A_195 = arith.cmpf olt, %select_n3A_193, %broadcast_in_dim3A_12 : vector<512x1xf32>
    %select_n3A_196 = arith.select %lt3A_195, %select_n3A_193, %broadcast_in_dim3A_12 : vector<512x1xi1>, vector<512x1xf32>
    %convert_element_type3A_197 = arith.truncf %select_n3A_196 : vector<512x1xf32> to vector<512x1xbf16>
    %convert_element_type3A_198 = arith.extf %convert_element_type3A_197 : vector<512x1xbf16> to vector<512x1xf32>
    %select_n3A_199 = arith.select %lt3A_195, %select_n3A_194, %broadcast_in_dim3A_14 : vector<512x1xi1>, vector<512x1xf32>
    %select_n3A_200 = arith.select %lt3A_195, %select_n3A_193, %broadcast_in_dim3A_16 : vector<512x1xi1>, vector<512x1xf32>
    %ge3A = arith.constant 1.760000e+02 : f32
    %ge3A_201 = vector.broadcast %ge3A : f32 to vector<512x512xf32>
    %ge3A_202 = arith.cmpf oge, %convert_element_type3A_7, %ge3A_201 : vector<512x512xf32>
    %jit3A_203 = arith.constant 0x7F800000 : f32
    %broadcast_in_dim3A_204 = vector.broadcast %jit3A_203 : f32 to vector<512x512xf32>
    %select_n3A_205 = arith.select %ge3A_202, %sub3A_171, %broadcast_in_dim3A_204 : vector<512x512xi1>, vector<512x512xf32>
    %reduce_min3A_206 = arith.constant dense<0x7F800000> : vector<512xf32>
    %reduce_min3A_207 = vector.multi_reduction <minimumf>, %select_n3A_205, %reduce_min3A_206 [1] : vector<512x512xf32> to vector<512xf32>
    %broadcast_in_dim3A_208 = vector.shape_cast %reduce_min3A_207 : vector<512xf32> to vector<512x1xf32>
    %eq3A_209 = vector.broadcast %broadcast_in_dim3A_208 : vector<512x1xf32> to vector<512x512xf32>
    %eq3A_210 = arith.cmpf oeq, %select_n3A_205, %eq3A_209 : vector<512x512xf32>
    %jit3A_211 = arith.constant 3.000000e+38 : f32
    %broadcast_in_dim3A_212 = vector.broadcast %jit3A_211 : f32 to vector<512x512xf32>
    %select_n3A_213 = arith.select %eq3A_210, %convert_element_type3A_7, %broadcast_in_dim3A_212 : vector<512x512xi1>, vector<512x512xf32>
    %reduce_min3A_214 = arith.constant dense<0x7F800000> : vector<512xf32>
    %reduce_min3A_215 = vector.multi_reduction <minimumf>, %select_n3A_213, %reduce_min3A_214 [1] : vector<512x512xf32> to vector<512xf32>
    %broadcast_in_dim3A_216 = vector.shape_cast %reduce_min3A_215 : vector<512xf32> to vector<512x1xf32>
    %add3A_217 = arith.constant 2.560000e+03 : f32
    %add3A_218 = vector.broadcast %add3A_217 : f32 to vector<512x1xf32>
    %add3A_219 = arith.addf %broadcast_in_dim3A_216, %add3A_218 : vector<512x1xf32>
    %get3A_220 = arith.constant 3072 : index
    %get3A_221 = arith.constant 0 : index
    %get3A_222 = vector.load %arg3[%get3A_220, %get3A_221] : memref<8192x256xf32, #tpu.memory_space<vmem>>, vector<512x256xf32>
    %convert_element_type3A_223 = arith.truncf %get3A_222 : vector<512x256xf32> to vector<512x256xbf16>
    %get3A_224 = arith.constant 0 : index
    %get3A_225 = arith.constant 3072 : index
    %get3A_226 = vector.load %arg4[%get3A_224, %get3A_225] : memref<1x8192xf32, #tpu.memory_space<vmem>>, vector<1x512xf32>
    %dot_general3A_227 = arith.constant dense<0.000000e+00> : vector<512x512xf32>
    %dot_general3A_228 = tpu.matmul %convert_element_type3A, %convert_element_type3A_223, %dot_general3A_227 {dimension_numbers = #tpu.dot_dimension_numbers<[1], [1], [0], [0], [0, 0, 1, 0], [], []>, transpose_lhs_hint = false} : vector<512x256xbf16>, vector<512x256xbf16>, vector<512x512xf32> -> vector<512x512xf32>
    %add3A_229 = vector.broadcast %get3A_6 : vector<512x1xf32> to vector<512x512xf32>
    %add3A_230 = vector.broadcast %get3A_226 : vector<1x512xf32> to vector<512x512xf32>
    %add3A_231 = arith.addf %add3A_229, %add3A_230 : vector<512x512xf32>
    %sub3A_232 = arith.subf %add3A_231, %dot_general3A_228 : vector<512x512xf32>
    %reduce_min3A_233 = arith.constant dense<0x7F800000> : vector<512xf32>
    %reduce_min3A_234 = vector.multi_reduction <minimumf>, %sub3A_232, %reduce_min3A_233 [1] : vector<512x512xf32> to vector<512xf32>
    %broadcast_in_dim3A_235 = vector.shape_cast %reduce_min3A_234 : vector<512xf32> to vector<512x1xf32>
    %eq3A_236 = vector.broadcast %broadcast_in_dim3A_235 : vector<512x1xf32> to vector<512x512xf32>
    %eq3A_237 = arith.cmpf oeq, %sub3A_232, %eq3A_236 : vector<512x512xf32>
    %jit3A_238 = arith.constant 3.000000e+38 : f32
    %broadcast_in_dim3A_239 = vector.broadcast %jit3A_238 : f32 to vector<512x512xf32>
    %select_n3A_240 = arith.select %eq3A_237, %convert_element_type3A_7, %broadcast_in_dim3A_239 : vector<512x512xi1>, vector<512x512xf32>
    %reduce_min3A_241 = arith.constant dense<0x7F800000> : vector<512xf32>
    %reduce_min3A_242 = vector.multi_reduction <minimumf>, %select_n3A_240, %reduce_min3A_241 [1] : vector<512x512xf32> to vector<512xf32>
    %broadcast_in_dim3A_243 = vector.shape_cast %reduce_min3A_242 : vector<512xf32> to vector<512x1xf32>
    %add3A_244 = arith.constant 3.072000e+03 : f32
    %add3A_245 = vector.broadcast %add3A_244 : f32 to vector<512x1xf32>
    %add3A_246 = arith.addf %broadcast_in_dim3A_243, %add3A_245 : vector<512x1xf32>
    %lt3A_247 = arith.cmpf olt, %broadcast_in_dim3A_235, %broadcast_in_dim3A_208 : vector<512x1xf32>
    %select_n3A_248 = arith.select %lt3A_247, %broadcast_in_dim3A_235, %broadcast_in_dim3A_208 : vector<512x1xi1>, vector<512x1xf32>
    %select_n3A_249 = arith.select %lt3A_247, %add3A_246, %add3A_219 : vector<512x1xi1>, vector<512x1xf32>
    %get3A_250 = arith.constant 3584 : index
    %get3A_251 = arith.constant 0 : index
    %get3A_252 = vector.load %arg3[%get3A_250, %get3A_251] : memref<8192x256xf32, #tpu.memory_space<vmem>>, vector<512x256xf32>
    %convert_element_type3A_253 = arith.truncf %get3A_252 : vector<512x256xf32> to vector<512x256xbf16>
    %get3A_254 = arith.constant 0 : index
    %get3A_255 = arith.constant 3584 : index
    %get3A_256 = vector.load %arg4[%get3A_254, %get3A_255] : memref<1x8192xf32, #tpu.memory_space<vmem>>, vector<1x512xf32>
    %dot_general3A_257 = arith.constant dense<0.000000e+00> : vector<512x512xf32>
    %dot_general3A_258 = tpu.matmul %convert_element_type3A, %convert_element_type3A_253, %dot_general3A_257 {dimension_numbers = #tpu.dot_dimension_numbers<[1], [1], [0], [0], [0, 0, 1, 0], [], []>, transpose_lhs_hint = false} : vector<512x256xbf16>, vector<512x256xbf16>, vector<512x512xf32> -> vector<512x512xf32>
    %add3A_259 = vector.broadcast %get3A_6 : vector<512x1xf32> to vector<512x512xf32>
    %add3A_260 = vector.broadcast %get3A_256 : vector<1x512xf32> to vector<512x512xf32>
    %add3A_261 = arith.addf %add3A_259, %add3A_260 : vector<512x512xf32>
    %sub3A_262 = arith.subf %add3A_261, %dot_general3A_258 : vector<512x512xf32>
    %reduce_min3A_263 = arith.constant dense<0x7F800000> : vector<512xf32>
    %reduce_min3A_264 = vector.multi_reduction <minimumf>, %sub3A_262, %reduce_min3A_263 [1] : vector<512x512xf32> to vector<512xf32>
    %broadcast_in_dim3A_265 = vector.shape_cast %reduce_min3A_264 : vector<512xf32> to vector<512x1xf32>
    %eq3A_266 = vector.broadcast %broadcast_in_dim3A_265 : vector<512x1xf32> to vector<512x512xf32>
    %eq3A_267 = arith.cmpf oeq, %sub3A_262, %eq3A_266 : vector<512x512xf32>
    %jit3A_268 = arith.constant 3.000000e+38 : f32
    %broadcast_in_dim3A_269 = vector.broadcast %jit3A_268 : f32 to vector<512x512xf32>
    %select_n3A_270 = arith.select %eq3A_267, %convert_element_type3A_7, %broadcast_in_dim3A_269 : vector<512x512xi1>, vector<512x512xf32>
    %reduce_min3A_271 = arith.constant dense<0x7F800000> : vector<512xf32>
    %reduce_min3A_272 = vector.multi_reduction <minimumf>, %select_n3A_270, %reduce_min3A_271 [1] : vector<512x512xf32> to vector<512xf32>
    %broadcast_in_dim3A_273 = vector.shape_cast %reduce_min3A_272 : vector<512xf32> to vector<512x1xf32>
    %add3A_274 = arith.constant 3.584000e+03 : f32
    %add3A_275 = vector.broadcast %add3A_274 : f32 to vector<512x1xf32>
    %add3A_276 = arith.addf %broadcast_in_dim3A_273, %add3A_275 : vector<512x1xf32>
    %lt3A_277 = arith.cmpf olt, %broadcast_in_dim3A_265, %select_n3A_248 : vector<512x1xf32>
    %select_n3A_278 = arith.select %lt3A_277, %broadcast_in_dim3A_265, %select_n3A_248 : vector<512x1xi1>, vector<512x1xf32>
    %select_n3A_279 = arith.select %lt3A_277, %add3A_276, %select_n3A_249 : vector<512x1xi1>, vector<512x1xf32>
    %get3A_280 = arith.constant 4096 : index
    %get3A_281 = arith.constant 0 : index
    %get3A_282 = vector.load %arg3[%get3A_280, %get3A_281] : memref<8192x256xf32, #tpu.memory_space<vmem>>, vector<512x256xf32>
    %convert_element_type3A_283 = arith.truncf %get3A_282 : vector<512x256xf32> to vector<512x256xbf16>
    %get3A_284 = arith.constant 0 : index
    %get3A_285 = arith.constant 4096 : index
    %get3A_286 = vector.load %arg4[%get3A_284, %get3A_285] : memref<1x8192xf32, #tpu.memory_space<vmem>>, vector<1x512xf32>
    %dot_general3A_287 = arith.constant dense<0.000000e+00> : vector<512x512xf32>
    %dot_general3A_288 = tpu.matmul %convert_element_type3A, %convert_element_type3A_283, %dot_general3A_287 {dimension_numbers = #tpu.dot_dimension_numbers<[1], [1], [0], [0], [0, 0, 1, 0], [], []>, transpose_lhs_hint = false} : vector<512x256xbf16>, vector<512x256xbf16>, vector<512x512xf32> -> vector<512x512xf32>
    %add3A_289 = vector.broadcast %get3A_6 : vector<512x1xf32> to vector<512x512xf32>
    %add3A_290 = vector.broadcast %get3A_286 : vector<1x512xf32> to vector<512x512xf32>
    %add3A_291 = arith.addf %add3A_289, %add3A_290 : vector<512x512xf32>
    %sub3A_292 = arith.subf %add3A_291, %dot_general3A_288 : vector<512x512xf32>
    %reduce_min3A_293 = arith.constant dense<0x7F800000> : vector<512xf32>
    %reduce_min3A_294 = vector.multi_reduction <minimumf>, %sub3A_292, %reduce_min3A_293 [1] : vector<512x512xf32> to vector<512xf32>
    %broadcast_in_dim3A_295 = vector.shape_cast %reduce_min3A_294 : vector<512xf32> to vector<512x1xf32>
    %eq3A_296 = vector.broadcast %broadcast_in_dim3A_295 : vector<512x1xf32> to vector<512x512xf32>
    %eq3A_297 = arith.cmpf oeq, %sub3A_292, %eq3A_296 : vector<512x512xf32>
    %jit3A_298 = arith.constant 3.000000e+38 : f32
    %broadcast_in_dim3A_299 = vector.broadcast %jit3A_298 : f32 to vector<512x512xf32>
    %select_n3A_300 = arith.select %eq3A_297, %convert_element_type3A_7, %broadcast_in_dim3A_299 : vector<512x512xi1>, vector<512x512xf32>
    %reduce_min3A_301 = arith.constant dense<0x7F800000> : vector<512xf32>
    %reduce_min3A_302 = vector.multi_reduction <minimumf>, %select_n3A_300, %reduce_min3A_301 [1] : vector<512x512xf32> to vector<512xf32>
    %broadcast_in_dim3A_303 = vector.shape_cast %reduce_min3A_302 : vector<512xf32> to vector<512x1xf32>
    %add3A_304 = arith.constant 4.096000e+03 : f32
    %add3A_305 = vector.broadcast %add3A_304 : f32 to vector<512x1xf32>
    %add3A_306 = arith.addf %broadcast_in_dim3A_303, %add3A_305 : vector<512x1xf32>
    %lt3A_307 = arith.cmpf olt, %broadcast_in_dim3A_295, %select_n3A_278 : vector<512x1xf32>
    %select_n3A_308 = arith.select %lt3A_307, %broadcast_in_dim3A_295, %select_n3A_278 : vector<512x1xi1>, vector<512x1xf32>
    %select_n3A_309 = arith.select %lt3A_307, %add3A_306, %select_n3A_279 : vector<512x1xi1>, vector<512x1xf32>
    %get3A_310 = arith.constant 4608 : index
    %get3A_311 = arith.constant 0 : index
    %get3A_312 = vector.load %arg3[%get3A_310, %get3A_311] : memref<8192x256xf32, #tpu.memory_space<vmem>>, vector<512x256xf32>
    %convert_element_type3A_313 = arith.truncf %get3A_312 : vector<512x256xf32> to vector<512x256xbf16>
    %get3A_314 = arith.constant 0 : index
    %get3A_315 = arith.constant 4608 : index
    %get3A_316 = vector.load %arg4[%get3A_314, %get3A_315] : memref<1x8192xf32, #tpu.memory_space<vmem>>, vector<1x512xf32>
    %dot_general3A_317 = arith.constant dense<0.000000e+00> : vector<512x512xf32>
    %dot_general3A_318 = tpu.matmul %convert_element_type3A, %convert_element_type3A_313, %dot_general3A_317 {dimension_numbers = #tpu.dot_dimension_numbers<[1], [1], [0], [0], [0, 0, 1, 0], [], []>, transpose_lhs_hint = false} : vector<512x256xbf16>, vector<512x256xbf16>, vector<512x512xf32> -> vector<512x512xf32>
    %add3A_319 = vector.broadcast %get3A_6 : vector<512x1xf32> to vector<512x512xf32>
    %add3A_320 = vector.broadcast %get3A_316 : vector<1x512xf32> to vector<512x512xf32>
    %add3A_321 = arith.addf %add3A_319, %add3A_320 : vector<512x512xf32>
    %sub3A_322 = arith.subf %add3A_321, %dot_general3A_318 : vector<512x512xf32>
    %reduce_min3A_323 = arith.constant dense<0x7F800000> : vector<512xf32>
    %reduce_min3A_324 = vector.multi_reduction <minimumf>, %sub3A_322, %reduce_min3A_323 [1] : vector<512x512xf32> to vector<512xf32>
    %broadcast_in_dim3A_325 = vector.shape_cast %reduce_min3A_324 : vector<512xf32> to vector<512x1xf32>
    %eq3A_326 = vector.broadcast %broadcast_in_dim3A_325 : vector<512x1xf32> to vector<512x512xf32>
    %eq3A_327 = arith.cmpf oeq, %sub3A_322, %eq3A_326 : vector<512x512xf32>
    %jit3A_328 = arith.constant 3.000000e+38 : f32
    %broadcast_in_dim3A_329 = vector.broadcast %jit3A_328 : f32 to vector<512x512xf32>
    %select_n3A_330 = arith.select %eq3A_327, %convert_element_type3A_7, %broadcast_in_dim3A_329 : vector<512x512xi1>, vector<512x512xf32>
    %reduce_min3A_331 = arith.constant dense<0x7F800000> : vector<512xf32>
    %reduce_min3A_332 = vector.multi_reduction <minimumf>, %select_n3A_330, %reduce_min3A_331 [1] : vector<512x512xf32> to vector<512xf32>
    %broadcast_in_dim3A_333 = vector.shape_cast %reduce_min3A_332 : vector<512xf32> to vector<512x1xf32>
    %add3A_334 = arith.constant 4.608000e+03 : f32
    %add3A_335 = vector.broadcast %add3A_334 : f32 to vector<512x1xf32>
    %add3A_336 = arith.addf %broadcast_in_dim3A_333, %add3A_335 : vector<512x1xf32>
    %lt3A_337 = arith.cmpf olt, %broadcast_in_dim3A_325, %select_n3A_308 : vector<512x1xf32>
    %select_n3A_338 = arith.select %lt3A_337, %broadcast_in_dim3A_325, %select_n3A_308 : vector<512x1xi1>, vector<512x1xf32>
    %select_n3A_339 = arith.select %lt3A_337, %add3A_336, %select_n3A_309 : vector<512x1xi1>, vector<512x1xf32>
    %get3A_340 = arith.constant 5120 : index
    %get3A_341 = arith.constant 0 : index
    %get3A_342 = vector.load %arg3[%get3A_340, %get3A_341] : memref<8192x256xf32, #tpu.memory_space<vmem>>, vector<512x256xf32>
    %convert_element_type3A_343 = arith.truncf %get3A_342 : vector<512x256xf32> to vector<512x256xbf16>
    %get3A_344 = arith.constant 0 : index
    %get3A_345 = arith.constant 5120 : index
    %get3A_346 = vector.load %arg4[%get3A_344, %get3A_345] : memref<1x8192xf32, #tpu.memory_space<vmem>>, vector<1x512xf32>
    %dot_general3A_347 = arith.constant dense<0.000000e+00> : vector<512x512xf32>
    %dot_general3A_348 = tpu.matmul %convert_element_type3A, %convert_element_type3A_343, %dot_general3A_347 {dimension_numbers = #tpu.dot_dimension_numbers<[1], [1], [0], [0], [0, 0, 1, 0], [], []>, transpose_lhs_hint = false} : vector<512x256xbf16>, vector<512x256xbf16>, vector<512x512xf32> -> vector<512x512xf32>
    %add3A_349 = vector.broadcast %get3A_6 : vector<512x1xf32> to vector<512x512xf32>
    %add3A_350 = vector.broadcast %get3A_346 : vector<1x512xf32> to vector<512x512xf32>
    %add3A_351 = arith.addf %add3A_349, %add3A_350 : vector<512x512xf32>
    %sub3A_352 = arith.subf %add3A_351, %dot_general3A_348 : vector<512x512xf32>
    %lt3A_353 = arith.constant 3.520000e+02 : f32
    %lt3A_354 = vector.broadcast %lt3A_353 : f32 to vector<512x512xf32>
    %lt3A_355 = arith.cmpf olt, %convert_element_type3A_7, %lt3A_354 : vector<512x512xf32>
    %jit3A_356 = arith.constant 0x7F800000 : f32
    %broadcast_in_dim3A_357 = vector.broadcast %jit3A_356 : f32 to vector<512x512xf32>
    %select_n3A_358 = arith.select %lt3A_355, %sub3A_352, %broadcast_in_dim3A_357 : vector<512x512xi1>, vector<512x512xf32>
    %reduce_min3A_359 = arith.constant dense<0x7F800000> : vector<512xf32>
    %reduce_min3A_360 = vector.multi_reduction <minimumf>, %select_n3A_358, %reduce_min3A_359 [1] : vector<512x512xf32> to vector<512xf32>
    %broadcast_in_dim3A_361 = vector.shape_cast %reduce_min3A_360 : vector<512xf32> to vector<512x1xf32>
    %eq3A_362 = vector.broadcast %broadcast_in_dim3A_361 : vector<512x1xf32> to vector<512x512xf32>
    %eq3A_363 = arith.cmpf oeq, %select_n3A_358, %eq3A_362 : vector<512x512xf32>
    %jit3A_364 = arith.constant 3.000000e+38 : f32
    %broadcast_in_dim3A_365 = vector.broadcast %jit3A_364 : f32 to vector<512x512xf32>
    %select_n3A_366 = arith.select %eq3A_363, %convert_element_type3A_7, %broadcast_in_dim3A_365 : vector<512x512xi1>, vector<512x512xf32>
    %reduce_min3A_367 = arith.constant dense<0x7F800000> : vector<512xf32>
    %reduce_min3A_368 = vector.multi_reduction <minimumf>, %select_n3A_366, %reduce_min3A_367 [1] : vector<512x512xf32> to vector<512xf32>
    %broadcast_in_dim3A_369 = vector.shape_cast %reduce_min3A_368 : vector<512xf32> to vector<512x1xf32>
    %add3A_370 = arith.constant 5.120000e+03 : f32
    %add3A_371 = vector.broadcast %add3A_370 : f32 to vector<512x1xf32>
    %add3A_372 = arith.addf %broadcast_in_dim3A_369, %add3A_371 : vector<512x1xf32>
    %lt3A_373 = arith.cmpf olt, %broadcast_in_dim3A_361, %select_n3A_338 : vector<512x1xf32>
    %select_n3A_374 = arith.select %lt3A_373, %broadcast_in_dim3A_361, %select_n3A_338 : vector<512x1xi1>, vector<512x1xf32>
    %select_n3A_375 = arith.select %lt3A_373, %add3A_372, %select_n3A_339 : vector<512x1xi1>, vector<512x1xf32>
    %lt3A_376 = arith.cmpf olt, %select_n3A_374, %convert_element_type3A_198 : vector<512x1xf32>
    %select_n3A_377 = arith.select %lt3A_376, %select_n3A_374, %convert_element_type3A_198 : vector<512x1xi1>, vector<512x1xf32>
    %convert_element_type3A_378 = arith.truncf %select_n3A_377 : vector<512x1xf32> to vector<512x1xbf16>
    %convert_element_type3A_379 = arith.extf %convert_element_type3A_378 : vector<512x1xbf16> to vector<512x1xf32>
    %select_n3A_380 = arith.select %lt3A_376, %select_n3A_375, %select_n3A_199 : vector<512x1xi1>, vector<512x1xf32>
    %select_n3A_381 = arith.select %lt3A_376, %select_n3A_374, %select_n3A_200 : vector<512x1xi1>, vector<512x1xf32>
    %ge3A_382 = arith.constant 3.520000e+02 : f32
    %ge3A_383 = vector.broadcast %ge3A_382 : f32 to vector<512x512xf32>
    %ge3A_384 = arith.cmpf oge, %convert_element_type3A_7, %ge3A_383 : vector<512x512xf32>
    %jit3A_385 = arith.constant 0x7F800000 : f32
    %broadcast_in_dim3A_386 = vector.broadcast %jit3A_385 : f32 to vector<512x512xf32>
    %select_n3A_387 = arith.select %ge3A_384, %sub3A_352, %broadcast_in_dim3A_386 : vector<512x512xi1>, vector<512x512xf32>
    %reduce_min3A_388 = arith.constant dense<0x7F800000> : vector<512xf32>
    %reduce_min3A_389 = vector.multi_reduction <minimumf>, %select_n3A_387, %reduce_min3A_388 [1] : vector<512x512xf32> to vector<512xf32>
    %broadcast_in_dim3A_390 = vector.shape_cast %reduce_min3A_389 : vector<512xf32> to vector<512x1xf32>
    %eq3A_391 = vector.broadcast %broadcast_in_dim3A_390 : vector<512x1xf32> to vector<512x512xf32>
    %eq3A_392 = arith.cmpf oeq, %select_n3A_387, %eq3A_391 : vector<512x512xf32>
    %jit3A_393 = arith.constant 3.000000e+38 : f32
    %broadcast_in_dim3A_394 = vector.broadcast %jit3A_393 : f32 to vector<512x512xf32>
    %select_n3A_395 = arith.select %eq3A_392, %convert_element_type3A_7, %broadcast_in_dim3A_394 : vector<512x512xi1>, vector<512x512xf32>
    %reduce_min3A_396 = arith.constant dense<0x7F800000> : vector<512xf32>
    %reduce_min3A_397 = vector.multi_reduction <minimumf>, %select_n3A_395, %reduce_min3A_396 [1] : vector<512x512xf32> to vector<512xf32>
    %broadcast_in_dim3A_398 = vector.shape_cast %reduce_min3A_397 : vector<512xf32> to vector<512x1xf32>
    %add3A_399 = arith.constant 5.120000e+03 : f32
    %add3A_400 = vector.broadcast %add3A_399 : f32 to vector<512x1xf32>
    %add3A_401 = arith.addf %broadcast_in_dim3A_398, %add3A_400 : vector<512x1xf32>
    %get3A_402 = arith.constant 5632 : index
    %get3A_403 = arith.constant 0 : index
    %get3A_404 = vector.load %arg3[%get3A_402, %get3A_403] : memref<8192x256xf32, #tpu.memory_space<vmem>>, vector<512x256xf32>
    %convert_element_type3A_405 = arith.truncf %get3A_404 : vector<512x256xf32> to vector<512x256xbf16>
    %get3A_406 = arith.constant 0 : index
    %get3A_407 = arith.constant 5632 : index
    %get3A_408 = vector.load %arg4[%get3A_406, %get3A_407] : memref<1x8192xf32, #tpu.memory_space<vmem>>, vector<1x512xf32>
    %dot_general3A_409 = arith.constant dense<0.000000e+00> : vector<512x512xf32>
    %dot_general3A_410 = tpu.matmul %convert_element_type3A, %convert_element_type3A_405, %dot_general3A_409 {dimension_numbers = #tpu.dot_dimension_numbers<[1], [1], [0], [0], [0, 0, 1, 0], [], []>, transpose_lhs_hint = false} : vector<512x256xbf16>, vector<512x256xbf16>, vector<512x512xf32> -> vector<512x512xf32>
    %add3A_411 = vector.broadcast %get3A_6 : vector<512x1xf32> to vector<512x512xf32>
    %add3A_412 = vector.broadcast %get3A_408 : vector<1x512xf32> to vector<512x512xf32>
    %add3A_413 = arith.addf %add3A_411, %add3A_412 : vector<512x512xf32>
    %sub3A_414 = arith.subf %add3A_413, %dot_general3A_410 : vector<512x512xf32>
    %reduce_min3A_415 = arith.constant dense<0x7F800000> : vector<512xf32>
    %reduce_min3A_416 = vector.multi_reduction <minimumf>, %sub3A_414, %reduce_min3A_415 [1] : vector<512x512xf32> to vector<512xf32>
    %broadcast_in_dim3A_417 = vector.shape_cast %reduce_min3A_416 : vector<512xf32> to vector<512x1xf32>
    %eq3A_418 = vector.broadcast %broadcast_in_dim3A_417 : vector<512x1xf32> to vector<512x512xf32>
    %eq3A_419 = arith.cmpf oeq, %sub3A_414, %eq3A_418 : vector<512x512xf32>
    %jit3A_420 = arith.constant 3.000000e+38 : f32
    %broadcast_in_dim3A_421 = vector.broadcast %jit3A_420 : f32 to vector<512x512xf32>
    %select_n3A_422 = arith.select %eq3A_419, %convert_element_type3A_7, %broadcast_in_dim3A_421 : vector<512x512xi1>, vector<512x512xf32>
    %reduce_min3A_423 = arith.constant dense<0x7F800000> : vector<512xf32>
    %reduce_min3A_424 = vector.multi_reduction <minimumf>, %select_n3A_422, %reduce_min3A_423 [1] : vector<512x512xf32> to vector<512xf32>
    %broadcast_in_dim3A_425 = vector.shape_cast %reduce_min3A_424 : vector<512xf32> to vector<512x1xf32>
    %add3A_426 = arith.constant 5.632000e+03 : f32
    %add3A_427 = vector.broadcast %add3A_426 : f32 to vector<512x1xf32>
    %add3A_428 = arith.addf %broadcast_in_dim3A_425, %add3A_427 : vector<512x1xf32>
    %lt3A_429 = arith.cmpf olt, %broadcast_in_dim3A_417, %broadcast_in_dim3A_390 : vector<512x1xf32>
    %select_n3A_430 = arith.select %lt3A_429, %broadcast_in_dim3A_417, %broadcast_in_dim3A_390 : vector<512x1xi1>, vector<512x1xf32>
    %select_n3A_431 = arith.select %lt3A_429, %add3A_428, %add3A_401 : vector<512x1xi1>, vector<512x1xf32>
    %get3A_432 = arith.constant 6144 : index
    %get3A_433 = arith.constant 0 : index
    %get3A_434 = vector.load %arg3[%get3A_432, %get3A_433] : memref<8192x256xf32, #tpu.memory_space<vmem>>, vector<512x256xf32>
    %convert_element_type3A_435 = arith.truncf %get3A_434 : vector<512x256xf32> to vector<512x256xbf16>
    %get3A_436 = arith.constant 0 : index
    %get3A_437 = arith.constant 6144 : index
    %get3A_438 = vector.load %arg4[%get3A_436, %get3A_437] : memref<1x8192xf32, #tpu.memory_space<vmem>>, vector<1x512xf32>
    %dot_general3A_439 = arith.constant dense<0.000000e+00> : vector<512x512xf32>
    %dot_general3A_440 = tpu.matmul %convert_element_type3A, %convert_element_type3A_435, %dot_general3A_439 {dimension_numbers = #tpu.dot_dimension_numbers<[1], [1], [0], [0], [0, 0, 1, 0], [], []>, transpose_lhs_hint = false} : vector<512x256xbf16>, vector<512x256xbf16>, vector<512x512xf32> -> vector<512x512xf32>
    %add3A_441 = vector.broadcast %get3A_6 : vector<512x1xf32> to vector<512x512xf32>
    %add3A_442 = vector.broadcast %get3A_438 : vector<1x512xf32> to vector<512x512xf32>
    %add3A_443 = arith.addf %add3A_441, %add3A_442 : vector<512x512xf32>
    %sub3A_444 = arith.subf %add3A_443, %dot_general3A_440 : vector<512x512xf32>
    %reduce_min3A_445 = arith.constant dense<0x7F800000> : vector<512xf32>
    %reduce_min3A_446 = vector.multi_reduction <minimumf>, %sub3A_444, %reduce_min3A_445 [1] : vector<512x512xf32> to vector<512xf32>
    %broadcast_in_dim3A_447 = vector.shape_cast %reduce_min3A_446 : vector<512xf32> to vector<512x1xf32>
    %eq3A_448 = vector.broadcast %broadcast_in_dim3A_447 : vector<512x1xf32> to vector<512x512xf32>
    %eq3A_449 = arith.cmpf oeq, %sub3A_444, %eq3A_448 : vector<512x512xf32>
    %jit3A_450 = arith.constant 3.000000e+38 : f32
    %broadcast_in_dim3A_451 = vector.broadcast %jit3A_450 : f32 to vector<512x512xf32>
    %select_n3A_452 = arith.select %eq3A_449, %convert_element_type3A_7, %broadcast_in_dim3A_451 : vector<512x512xi1>, vector<512x512xf32>
    %reduce_min3A_453 = arith.constant dense<0x7F800000> : vector<512xf32>
    %reduce_min3A_454 = vector.multi_reduction <minimumf>, %select_n3A_452, %reduce_min3A_453 [1] : vector<512x512xf32> to vector<512xf32>
    %broadcast_in_dim3A_455 = vector.shape_cast %reduce_min3A_454 : vector<512xf32> to vector<512x1xf32>
    %add3A_456 = arith.constant 6.144000e+03 : f32
    %add3A_457 = vector.broadcast %add3A_456 : f32 to vector<512x1xf32>
    %add3A_458 = arith.addf %broadcast_in_dim3A_455, %add3A_457 : vector<512x1xf32>
    %lt3A_459 = arith.cmpf olt, %broadcast_in_dim3A_447, %select_n3A_430 : vector<512x1xf32>
    %select_n3A_460 = arith.select %lt3A_459, %broadcast_in_dim3A_447, %select_n3A_430 : vector<512x1xi1>, vector<512x1xf32>
    %select_n3A_461 = arith.select %lt3A_459, %add3A_458, %select_n3A_431 : vector<512x1xi1>, vector<512x1xf32>
    %get3A_462 = arith.constant 6656 : index
    %get3A_463 = arith.constant 0 : index
    %get3A_464 = vector.load %arg3[%get3A_462, %get3A_463] : memref<8192x256xf32, #tpu.memory_space<vmem>>, vector<512x256xf32>
    %convert_element_type3A_465 = arith.truncf %get3A_464 : vector<512x256xf32> to vector<512x256xbf16>
    %get3A_466 = arith.constant 0 : index
    %get3A_467 = arith.constant 6656 : index
    %get3A_468 = vector.load %arg4[%get3A_466, %get3A_467] : memref<1x8192xf32, #tpu.memory_space<vmem>>, vector<1x512xf32>
    %dot_general3A_469 = arith.constant dense<0.000000e+00> : vector<512x512xf32>
    %dot_general3A_470 = tpu.matmul %convert_element_type3A, %convert_element_type3A_465, %dot_general3A_469 {dimension_numbers = #tpu.dot_dimension_numbers<[1], [1], [0], [0], [0, 0, 1, 0], [], []>, transpose_lhs_hint = false} : vector<512x256xbf16>, vector<512x256xbf16>, vector<512x512xf32> -> vector<512x512xf32>
    %add3A_471 = vector.broadcast %get3A_6 : vector<512x1xf32> to vector<512x512xf32>
    %add3A_472 = vector.broadcast %get3A_468 : vector<1x512xf32> to vector<512x512xf32>
    %add3A_473 = arith.addf %add3A_471, %add3A_472 : vector<512x512xf32>
    %sub3A_474 = arith.subf %add3A_473, %dot_general3A_470 : vector<512x512xf32>
    %reduce_min3A_475 = arith.constant dense<0x7F800000> : vector<512xf32>
    %reduce_min3A_476 = vector.multi_reduction <minimumf>, %sub3A_474, %reduce_min3A_475 [1] : vector<512x512xf32> to vector<512xf32>
    %broadcast_in_dim3A_477 = vector.shape_cast %reduce_min3A_476 : vector<512xf32> to vector<512x1xf32>
    %eq3A_478 = vector.broadcast %broadcast_in_dim3A_477 : vector<512x1xf32> to vector<512x512xf32>
    %eq3A_479 = arith.cmpf oeq, %sub3A_474, %eq3A_478 : vector<512x512xf32>
    %jit3A_480 = arith.constant 3.000000e+38 : f32
    %broadcast_in_dim3A_481 = vector.broadcast %jit3A_480 : f32 to vector<512x512xf32>
    %select_n3A_482 = arith.select %eq3A_479, %convert_element_type3A_7, %broadcast_in_dim3A_481 : vector<512x512xi1>, vector<512x512xf32>
    %reduce_min3A_483 = arith.constant dense<0x7F800000> : vector<512xf32>
    %reduce_min3A_484 = vector.multi_reduction <minimumf>, %select_n3A_482, %reduce_min3A_483 [1] : vector<512x512xf32> to vector<512xf32>
    %broadcast_in_dim3A_485 = vector.shape_cast %reduce_min3A_484 : vector<512xf32> to vector<512x1xf32>
    %add3A_486 = arith.constant 6.656000e+03 : f32
    %add3A_487 = vector.broadcast %add3A_486 : f32 to vector<512x1xf32>
    %add3A_488 = arith.addf %broadcast_in_dim3A_485, %add3A_487 : vector<512x1xf32>
    %lt3A_489 = arith.cmpf olt, %broadcast_in_dim3A_477, %select_n3A_460 : vector<512x1xf32>
    %select_n3A_490 = arith.select %lt3A_489, %broadcast_in_dim3A_477, %select_n3A_460 : vector<512x1xi1>, vector<512x1xf32>
    %select_n3A_491 = arith.select %lt3A_489, %add3A_488, %select_n3A_461 : vector<512x1xi1>, vector<512x1xf32>
    %get3A_492 = arith.constant 7168 : index
    %get3A_493 = arith.constant 0 : index
    %get3A_494 = vector.load %arg3[%get3A_492, %get3A_493] : memref<8192x256xf32, #tpu.memory_space<vmem>>, vector<512x256xf32>
    %convert_element_type3A_495 = arith.truncf %get3A_494 : vector<512x256xf32> to vector<512x256xbf16>
    %get3A_496 = arith.constant 0 : index
    %get3A_497 = arith.constant 7168 : index
    %get3A_498 = vector.load %arg4[%get3A_496, %get3A_497] : memref<1x8192xf32, #tpu.memory_space<vmem>>, vector<1x512xf32>
    %dot_general3A_499 = arith.constant dense<0.000000e+00> : vector<512x512xf32>
    %dot_general3A_500 = tpu.matmul %convert_element_type3A, %convert_element_type3A_495, %dot_general3A_499 {dimension_numbers = #tpu.dot_dimension_numbers<[1], [1], [0], [0], [0, 0, 1, 0], [], []>, transpose_lhs_hint = false} : vector<512x256xbf16>, vector<512x256xbf16>, vector<512x512xf32> -> vector<512x512xf32>
    %add3A_501 = vector.broadcast %get3A_6 : vector<512x1xf32> to vector<512x512xf32>
    %add3A_502 = vector.broadcast %get3A_498 : vector<1x512xf32> to vector<512x512xf32>
    %add3A_503 = arith.addf %add3A_501, %add3A_502 : vector<512x512xf32>
    %sub3A_504 = arith.subf %add3A_503, %dot_general3A_500 : vector<512x512xf32>
    %reduce_min3A_505 = arith.constant dense<0x7F800000> : vector<512xf32>
    %reduce_min3A_506 = vector.multi_reduction <minimumf>, %sub3A_504, %reduce_min3A_505 [1] : vector<512x512xf32> to vector<512xf32>
    %broadcast_in_dim3A_507 = vector.shape_cast %reduce_min3A_506 : vector<512xf32> to vector<512x1xf32>
    %eq3A_508 = vector.broadcast %broadcast_in_dim3A_507 : vector<512x1xf32> to vector<512x512xf32>
    %eq3A_509 = arith.cmpf oeq, %sub3A_504, %eq3A_508 : vector<512x512xf32>
    %jit3A_510 = arith.constant 3.000000e+38 : f32
    %broadcast_in_dim3A_511 = vector.broadcast %jit3A_510 : f32 to vector<512x512xf32>
    %select_n3A_512 = arith.select %eq3A_509, %convert_element_type3A_7, %broadcast_in_dim3A_511 : vector<512x512xi1>, vector<512x512xf32>
    %reduce_min3A_513 = arith.constant dense<0x7F800000> : vector<512xf32>
    %reduce_min3A_514 = vector.multi_reduction <minimumf>, %select_n3A_512, %reduce_min3A_513 [1] : vector<512x512xf32> to vector<512xf32>
    %broadcast_in_dim3A_515 = vector.shape_cast %reduce_min3A_514 : vector<512xf32> to vector<512x1xf32>
    %add3A_516 = arith.constant 7.168000e+03 : f32
    %add3A_517 = vector.broadcast %add3A_516 : f32 to vector<512x1xf32>
    %add3A_518 = arith.addf %broadcast_in_dim3A_515, %add3A_517 : vector<512x1xf32>
    %lt3A_519 = arith.cmpf olt, %broadcast_in_dim3A_507, %select_n3A_490 : vector<512x1xf32>
    %select_n3A_520 = arith.select %lt3A_519, %broadcast_in_dim3A_507, %select_n3A_490 : vector<512x1xi1>, vector<512x1xf32>
    %select_n3A_521 = arith.select %lt3A_519, %add3A_518, %select_n3A_491 : vector<512x1xi1>, vector<512x1xf32>
    %get3A_522 = arith.constant 7680 : index
    %get3A_523 = arith.constant 0 : index
    %get3A_524 = vector.load %arg3[%get3A_522, %get3A_523] : memref<8192x256xf32, #tpu.memory_space<vmem>>, vector<512x256xf32>
    %convert_element_type3A_525 = arith.truncf %get3A_524 : vector<512x256xf32> to vector<512x256xbf16>
    %get3A_526 = arith.constant 0 : index
    %get3A_527 = arith.constant 7680 : index
    %get3A_528 = vector.load %arg4[%get3A_526, %get3A_527] : memref<1x8192xf32, #tpu.memory_space<vmem>>, vector<1x512xf32>
    %dot_general3A_529 = arith.constant dense<0.000000e+00> : vector<512x512xf32>
    %dot_general3A_530 = tpu.matmul %convert_element_type3A, %convert_element_type3A_525, %dot_general3A_529 {dimension_numbers = #tpu.dot_dimension_numbers<[1], [1], [0], [0], [0, 0, 1, 0], [], []>, transpose_lhs_hint = false} : vector<512x256xbf16>, vector<512x256xbf16>, vector<512x512xf32> -> vector<512x512xf32>
    %add3A_531 = vector.broadcast %get3A_6 : vector<512x1xf32> to vector<512x512xf32>
    %add3A_532 = vector.broadcast %get3A_528 : vector<1x512xf32> to vector<512x512xf32>
    %add3A_533 = arith.addf %add3A_531, %add3A_532 : vector<512x512xf32>
    %sub3A_534 = arith.subf %add3A_533, %dot_general3A_530 : vector<512x512xf32>
    %reduce_min3A_535 = arith.constant dense<0x7F800000> : vector<512xf32>
    %reduce_min3A_536 = vector.multi_reduction <minimumf>, %sub3A_534, %reduce_min3A_535 [1] : vector<512x512xf32> to vector<512xf32>
    %broadcast_in_dim3A_537 = vector.shape_cast %reduce_min3A_536 : vector<512xf32> to vector<512x1xf32>
    %eq3A_538 = vector.broadcast %broadcast_in_dim3A_537 : vector<512x1xf32> to vector<512x512xf32>
    %eq3A_539 = arith.cmpf oeq, %sub3A_534, %eq3A_538 : vector<512x512xf32>
    %jit3A_540 = arith.constant 3.000000e+38 : f32
    %broadcast_in_dim3A_541 = vector.broadcast %jit3A_540 : f32 to vector<512x512xf32>
    %select_n3A_542 = arith.select %eq3A_539, %convert_element_type3A_7, %broadcast_in_dim3A_541 : vector<512x512xi1>, vector<512x512xf32>
    %reduce_min3A_543 = arith.constant dense<0x7F800000> : vector<512xf32>
    %reduce_min3A_544 = vector.multi_reduction <minimumf>, %select_n3A_542, %reduce_min3A_543 [1] : vector<512x512xf32> to vector<512xf32>
    %broadcast_in_dim3A_545 = vector.shape_cast %reduce_min3A_544 : vector<512xf32> to vector<512x1xf32>
    %add3A_546 = arith.constant 7.680000e+03 : f32
    %add3A_547 = vector.broadcast %add3A_546 : f32 to vector<512x1xf32>
    %add3A_548 = arith.addf %broadcast_in_dim3A_545, %add3A_547 : vector<512x1xf32>
    %lt3A_549 = arith.cmpf olt, %broadcast_in_dim3A_537, %select_n3A_520 : vector<512x1xf32>
    %select_n3A_550 = arith.select %lt3A_549, %broadcast_in_dim3A_537, %select_n3A_520 : vector<512x1xi1>, vector<512x1xf32>
    %select_n3A_551 = arith.select %lt3A_549, %add3A_548, %select_n3A_521 : vector<512x1xi1>, vector<512x1xf32>
    %lt3A_552 = arith.cmpf olt, %select_n3A_550, %convert_element_type3A_379 : vector<512x1xf32>
    %select_n3A_553 = arith.select %lt3A_552, %select_n3A_551, %select_n3A_380 : vector<512x1xi1>, vector<512x1xf32>
    %select_n3A_554 = arith.select %lt3A_552, %select_n3A_550, %select_n3A_381 : vector<512x1xi1>, vector<512x1xf32>
    %convert_element_type3A_555 = arith.fptosi %select_n3A_553 : vector<512x1xf32> to vector<512x1xi32>
    %swap3A = arith.constant 0 : index
    %swap3A_556 = arith.constant 0 : index
    %swap3A_557 = vector.load %arg5[%swap3A, %swap3A_556] : memref<512x1xi32, #tpu.memory_space<vmem>>, vector<512x1xi32>
    tpu.vector_store %arg5[%swap3A, %swap3A_556], %convert_element_type3A_555 {strides = array<i32>} : memref<512x1xi32, #tpu.memory_space<vmem>>, vector<512x1xi32>,
    %reduce_sum3A = vector.shape_cast %select_n3A_554 : vector<512x1xf32> to vector<1x512x1xf32>
    %reduce_sum3A_558 = arith.constant dense<0.000000e+00> : vector<1xf32>
    %reduce_sum3A_559 = vector.multi_reduction <add>, %reduce_sum3A, %reduce_sum3A_558 [1, 2] : vector<1x512x1xf32> to vector<1xf32>
    %reduce_sum3A_560 = vector.shape_cast %reduce_sum3A_559 : vector<1xf32> to vector<1x1x1xf32>
    %reduce_sum3A_561 = vector.extract %reduce_sum3A_560[0, 0, 0] : f32 from vector<1x1x1xf32>
    %reshape3A = vector.broadcast %reduce_sum3A_561 : f32 to vector<1x1x1xf32>
    %swap3A_562 = arith.constant 0 : index
    %swap3A_563 = arith.constant 0 : index
    %swap3A_564 = arith.constant 0 : index
    %swap3A_565 = vector.load %arg6[%swap3A_562, %swap3A_563, %swap3A_564] : memref<1x1x1xf32, #tpu.memory_space<vmem>>, vector<1x1x1xf32>
    tpu.vector_store %arg6[%swap3A_562, %swap3A_563, %swap3A_564], %reshape3A {strides = array<i32>} : memref<1x1x1xf32, #tpu.memory_space<vmem>>, vector<1x1x1xf32>,
    return
  }
  func.func @transform_0(%arg0: i32) -> (i32, i32) {
    %c0_i32 = arith.constant 0 : i32
    %c0_i32_0 = arith.constant 0 : i32
    return %arg0, %c0_i32 : i32, i32
  }
  func.func @transform_1(%arg0: i32) -> (i32, i32) {
    %c0_i32 = arith.constant 0 : i32
    %c0_i32_0 = arith.constant 0 : i32
    return %arg0, %c0_i32 : i32, i32
  }
  func.func @transform_2(%arg0: i32) -> (i32, i32) {
    %c0_i32 = arith.constant 0 : i32
    %c0_i32_0 = arith.constant 0 : i32
    %c0_i32_1 = arith.constant 0 : i32
    return %c0_i32, %c0_i32_0 : i32, i32
  }
  func.func @transform_3(%arg0: i32) -> (i32, i32) {
    %c0_i32 = arith.constant 0 : i32
    %c0_i32_0 = arith.constant 0 : i32
    %c0_i32_1 = arith.constant 0 : i32
    return %c0_i32, %c0_i32_0 : i32, i32
  }
  func.func @transform_4(%arg0: i32) -> (i32, i32) {
    %c0_i32 = arith.constant 0 : i32
    %c0_i32_0 = arith.constant 0 : i32
    return %arg0, %c0_i32 : i32, i32
  }
  func.func @transform_5(%arg0: i32) -> (i32, i32, i32) {
    %c0_i32 = arith.constant 0 : i32
    %c0_i32_0 = arith.constant 0 : i32
    %c0_i32_1 = arith.constant 0 : i32
    return %arg0, %c0_i32, %c0_i32_0 : i32, i32, i32
  }
}

</mosaic_0001>

<sc_bundles>
// kernel: kernel.4.cloned.1.call-start
scs
__scs_entry_jumppad:
0x0: {  	(pc) =	sbr.rel $0x88, $3  }
0x1: {  	(tag) =	ssettag $0x0;
	lr =	simm.s32 $0x1  }
0x2: {  	[smem:$0x3F9F] =	sst lr;
	_ =	strace $0xD0000000  }
0x3: {  	_ = 	snop  }
0x4: {  	_ = 	snop  }
0x5: {  	_ = 	snop  }
0x6: {  	_ = 	snop  }
0x7: {  	_ = 	snop  }
__scs_overlays_trampoline_lowered:
0x8: {  	[smem:$0x3FAE] =	sst s0  }
0x9: {  	[smem:$0x3FAF] =	sst s1  }
0xa: {  	[smem:$0x3FB0] =	sst s2  }
0xb: {  	[smem:$0x3FB1] =	sst s3  }
0xc: {  	[smem:$0x3FB2] =	sst s4  }
0xd: {  	[smem:$0x3FB3] =	sst s5  }
0xe: {  	[smem:$0x3FB4] =	sst s6  }
0xf: {  	[smem:$0x3FB5] =	sst s7  }
0x10: {  	[smem:$0x3FB6] =	sst s8  }
0x11: {  	[smem:$0x3FB7] =	sst s9;
	s0 =	simm.s32 @!p0 $0x0  }
0x12: {  	s1 =	sld [smem:$0x3F9D];
	s0 =	simm.s32 @p0 $0x1  }
0x13: {  	[smem:$0x3FB8] =	sst s0;
	s0 =	simm.s32 @!p1 $0x0  }
0x14: {  	s2 =	sld [smem:$0x3F9C];
	s0 =	simm.s32 @p1 $0x1  }
0x15: {  	[smem:$0x3FB9] =	sst s0;
	s0 =	simm.s32 @!p2 $0x0  }
0x16: {  	s3 =	sld [smem:$0x3FDB];
	s0 =	simm.s32 @p2 $0x1  }
0x17: {  	s4 =	simm.s32 $0x1BF5;
	[smem:$0x3FBB] =	sst s0  }
0x18: {  	s0 =	sld [smem:$0x3F9E];
	_ =	swait.ge [sflag:s4], $0x0  }
0x19: {  	s7 =	sld [smem:$0x3F9F]  }
0x1a: {  	s8 =	sadd.s32 $0xFFFFE003, lr  }
0x1b: {  	s9 =	sadd.s32 $0xFFFFFEF7, lr;
	s5 =	simm.s32 $0xFFFFFFFF;
	p2 =	slt.u32 s8, $0xFFFFF086  }
0x1c: {  	p1 =	slt.u32 s9, $0xF7A;
	s5 =	simm.s32 @!p2 $0x0  }
0x1d: {  	s5 =	simm.s32 @p1 $0x1;
	p0 =	seq.s32 s7, s2  }
0x1e: {  	s7 =	smul.u32 @!p0 $0xF7A, s2;
	p2 =	seq.s32 @!p0 s5, $0x0  }
0x1f: {  	s9 =	smul.u32 $0xF7A, s1;
	s8 =	simm.s32 @!p0 $0x1BF5;
	p2 =	por !p2, p0  }
0x20: {  	[sflag:s8] =	ssyncset.s32 @!p0 $0xFFFFF086;
	s6 =	sadd.s32 @!p0 s3, s7;
	s7 =	simm.s32 @!p0 $0x108  }
0x21: {  	s3 =	sadd.s32 s3, s9;
	s6 =	sadd.s32 @!p0 $0x88, s6;
	s7 =	simm.s32 @p2 $0x1082  }
0x22: {  	[simem:s7], [sflag:s8] =	dma.local @!p0 [hbm:s6], $0xF7A  }
0x23: {  	s9 =	sor.u32 $0xD0000000, s2;
	s6 =	simm.s32 $0x108;
	_ =	swait.ge @!p0 [sflag:s8], $0x0  }
0x24: {  	s3 =	sadd.s32 $0x88, s3;
	s6 =	simm.s32 @!p1 $0x1082;
	[sflag:s4] =	ssyncset.s32 $0xFFFFF086  }
0x25: {  	[simem:s6], [sflag:s4] =	dma.local [hbm:s3], $0xF7A  }
0x26: {  	[smem:$0x3F9F] =	sst s1;
	(tag) =	ssettag s2;
	_ =	strace s9  }
0x27: {  	s1 =	sld [smem:$0x3FAF]  }
0x28: {  	s2 =	sld [smem:$0x3FB0]  }
0x29: {  	s4 =	sld [smem:$0x3FB2]  }
0x2a: {  	p0 =	seq.s32 s5, $0x0;
	s5 =	sld [smem:$0x3FB3]  }
0x2b: {  	s6 =	sld [smem:$0x3FB4]  }
0x2c: {  	s7 =	sld [smem:$0x3FB5]  }
0x2d: {  	s3 =	simm.s32 $0x108;
	s8 =	sld [smem:$0x3FB6]  }
0x2e: {  	s3 =	simm.s32 @!p0 $0x1082;
	s9 =	sld [smem:$0x3FB7]  }
0x2f: {  	lr =	sadd.s32 s0, s3;
	s0 =	sld [smem:$0x3FAE]  }
0x30: {  	s3 =	sld [smem:$0x3FB1]  }
0x31: {  	[smem:$0x3FBA] =	sst s10  }
0x32: {  	s10 =	sld [smem:$0x3FB8];
	_ =	sdelay $0x3  }
0x33: {  	p0 =	seq.s32 s10, $0x1;
	s10 =	sld [smem:$0x3FBA];
	_ =	sdelay $0x3  }
0x34: {  	[smem:$0x3FBA] =	sst s10  }
0x35: {  	s10 =	sld [smem:$0x3FB9];
	_ =	sdelay $0x3  }
0x36: {  	p1 =	seq.s32 s10, $0x1;
	s10 =	sld [smem:$0x3FBA];
	_ =	sdelay $0x3  }
0x37: {  	[smem:$0x3FBA] =	sst s10  }
0x38: {  	s10 =	sld [smem:$0x3FBB]  }
0x39: {  	_ = 	snop;
	(pc) =	sbr.ind lr, $3  }
0x3a: {  	_ = 	snop  }
0x3b: {  	_ = 	snop  }
0x3c: {  	p2 =	seq.s32 s10, $0x1;
	s10 =	sld [smem:$0x3FBA]  }
0x3d: {  	_ =	shalt  }
0x3e: {  	_ =	shalt  }
0x3f: {  	_ =	shalt  }
0x40: {  	_ =	shalt  }
0x41: {  	_ =	shalt  }
0x42: {  	_ =	shalt  }
0x43: {  	_ =	shalt  }
0x44: {  	_ =	shalt  }
0x45: {  	_ =	shalt  }
0x46: {  	_ =	shalt  }
0x47: {  	_ =	shalt  }
0x48: {  	_ =	shalt  }
0x49: {  	_ =	shalt  }
0x4a: {  	_ =	shalt  }
0x4b: {  	_ =	shalt  }
0x4c: {  	_ =	shalt  }
0x4d: {  	_ =	shalt  }
0x4e: {  	_ =	shalt  }
0x4f: {  	_ =	shalt  }
0x50: {  	_ =	shalt  }
0x51: {  	_ =	shalt  }
0x52: {  	_ =	shalt  }
0x53: {  	_ =	shalt  }
0x54: {  	_ =	shalt  }
0x55: {  	_ =	shalt  }
0x56: {  	_ =	shalt  }
0x57: {  	_ =	shalt  }
0x58: {  	_ =	shalt  }
0x59: {  	_ =	shalt  }
0x5a: {  	_ =	shalt  }
0x5b: {  	_ =	shalt  }
0x5c: {  	_ =	shalt  }
0x5d: {  	_ =	shalt  }
0x5e: {  	_ =	shalt  }
0x5f: {  	_ =	shalt  }
0x60: {  	_ =	shalt  }
0x61: {  	_ =	shalt  }
0x62: {  	_ =	shalt  }
0x63: {  	_ =	shalt  }
0x64: {  	_ =	shalt  }
0x65: {  	_ =	shalt  }
0x66: {  	_ =	shalt  }
0x67: {  	_ =	shalt  }
0x68: {  	_ =	shalt  }
0x69: {  	_ =	shalt  }
0x6a: {  	_ =	shalt  }
0x6b: {  	_ =	shalt  }
0x6c: {  	_ =	shalt  }
0x6d: {  	_ =	shalt  }
0x6e: {  	_ =	shalt  }
0x6f: {  	_ =	shalt  }
0x70: {  	_ =	shalt  }
0x71: {  	_ =	shalt  }
0x72: {  	_ =	shalt  }
0x73: {  	_ =	shalt  }
0x74: {  	_ =	shalt  }
0x75: {  	_ =	shalt  }
0x76: {  	_ =	shalt  }
0x77: {  	_ =	shalt  }
0x78: {  	_ =	shalt  }
0x79: {  	_ =	shalt  }
0x7a: {  	_ =	shalt  }
0x7b: {  	_ =	shalt  }
0x7c: {  	_ =	shalt  }
0x7d: {  	_ =	shalt  }
0x7e: {  	_ =	shalt  }
0x7f: {  	_ =	shalt  }
0x80: {  	_ =	shalt  }
0x81: {  	_ =	shalt  }
0x82: {  	_ =	shalt  }
0x83: {  	_ =	shalt  }
0x84: {  	_ =	shalt  }
0x85: {  	_ =	shalt  }
0x86: {  	_ =	shalt  }
0x87: {  	_ =	shalt  }
.Lfunc_end0:
.L_simem_size_0:
called_computation_lowered:
.L_overlay_start_0:
0x88: {  	s2 =	sld [smem:$0x3FD9]  }
0x89: {  	s3 =	sld [smem:$0x3FFE];
	_ =	sdelay $0x1  }
0x8a: {  	s1 =	srdreg.scid  }
0x8b: {  	s0 =	sand.u32 $0x1, s1  }
0x8c: {  	s15 =	sshll.u32 s0, $0xA;
	s2 =	sadd.s32 s3, s2  }
0x8d: {  	s2 =	sadd.s32 s2, s15  }
0x8e: {  	[smem:$0x3FC6] =	sst s2  }
0x8f: {  	_ = 	snop  }
0x90: {  	s2 =	sld [smem:$0x3FD0];
	_ =	sdelay $0x2  }
0x91: {  	s4 =	simm.s32 $0xA;
	s5 =	simm.s32 $0x10;
	s16 =	sld [smem:$0x3FC8]  }
0x92: {  	[smem:s5], [sflag:s4] =	dma.local [hbm:s2], $0x1  }
0x93: {  	_ =	swait.eq [sflag:s4], $0x1  }
0x94: {  	[sflag:s4] =	ssyncset.done $0x0  }
0x95: {  	s17 =	sld [smem:$0x10];
	[sflag:s4] =	ssyncadd.s32 $0xFFFFFFFF  }
0x96: {  	s18 =	sld [smem:$0x12];
	(tm) =	ssettm $0x1  }
0x97: {  	s19 =	sld [smem:$0x3FFB];
	_ =	sdelay $0x3  }
0x98: {  	_ =	strace s19  }
0x99: {  	s5 =	sld [smem:$0x3FFC];
	_ =	sdelay $0x3  }
0x9a: {  	_ =	strace s5  }
0x9b: {  	s5 =	sld [smem:$0x3FFD];
	_ =	sdelay $0x3  }
0x9c: {  	_ =	strace s5  }
0x9d: {  	_ =	strace $0x8FFFFFFF  }
0x9e: {  	s20 =	sld [smem:$0x3FDB];
	_ =	sdelay $0x1  }
0x9f: {  	s6 =	simm.s32 $_scs_section_size  }
0xa0: {  	s7 =	simm.s32 $_size__tile_overlayer_lowered;
	s8 =	simm.s32 $_tile_overlayer_lowered  }
0xa1: {  	s23 =	simm.s32 $0x1BFF;
	s22 =	sshll.u32 s8, $0x1;
	s5 =	sadd.s32 s6, s20  }
0xa2: {  	s9 =	simm.s32 $0x0;
	s21 =	sshll.u32 s7, $0x1;
	s7 =	sadd.s32 s22, s5  }
0xa3: {  	[timem:s9], [sflag:s23] =	dma.local [hbm:s7], s21  }
0xa4: {  	_ =	swait.ge [sflag:s23], s21  }
0xa5: {  	s6 =	ssub.s32 $0x0, s21;
	[sflag:s23] =	ssyncset.done $0x0  }
0xa6: {  	[sflag:s23] =	ssyncadd.s32 s6;
	_ =	sdelay $0x1  }
0xa7: {  	s24 =	simm.s32 $0x1B8B  }
0xa8: {  	_ =	swait.ge [sflag:s24], $0x1  }
0xa9: {  	[sflag:s24] =	ssyncset.done $0x0  }
0xaa: {  	s25 =	simm.s32 $0x1B8E;
	[sflag:s24] =	ssyncadd.s32 $0xFFFFFFFF  }
0xab: {  	s26 =	simm.s32 $execute0_lowered;
	[smem:$0x3FD2] =	sst s25  }
0xac: {  	s6 =	sshll.u32 s26, $0x1;
	_ =	strace $0x80000046;
	[dreg:$0x1] =	wrdreg $0xFFFFFFFF  }
0xad: {  	s28 =	simm.s32 $_size_execute0_lowered;
	s5 =	sadd.s32 s5, s6;
	[dreg:$0x0] =	wrdreg $0x0  }
0xae: {  	s6 =	sshll.u32 s28, $0x1;
	[dreg:$0x2] =	wrdreg s5  }
0xaf: {  	[dreg:$0x3] =	wrdreg s6  }
0xb0: {  	[dreg:$0x4] =	wrdreg $0xC0  }
0xb1: {  	_ =	task [dreg:s9], $0x5FFFF  }
0xb2: {  	[dreg:$0x1] =	wrdreg $0xFFFFFFFF  }
0xb3: {  	[dreg:$0x0] =	wrdreg $0x60  }
0xb4: {  	[dreg:$0x2] =	wrdreg s16  }
0xb5: {  	[dreg:$0x3] =	wrdreg s18  }
0xb6: {  	[dreg:$0x4] =	wrdreg s17  }
0xb7: {  	[dreg:$0x5] =	wrdreg $0x9  }
0xb8: {  	_ =	task.clear_ibuf [dreg:s9], $0x6FFFF;
	_ =	strace $0x90000046  }
0xb9: {  	s29 =	simm.s32 $0x9;
	_ =	strace $0x80000048  }
0xba: {  	_ =	swait.ge [sflag:s29], $0x1  }
0xbb: {  	[sflag:s29] =	ssyncadd.s32 $0xFFFFFFFF  }
0xbc: {  	_ =	strace $0x90000048  }
0xbd: {  	_ =	sfence  }
0xbe: {  	s30 =	sld [smem:$0x0];
	_ =	sdelay $0x2  }
0xbf: {  	s31 =	sshll.u32 s1, $0xD;
	s1 =	sshrl.u32 s1, $0x2  }
0xc0: {  	s3 =	sand.u32 $0x4000, s31;
	s1 =	sadd.s32 s1, s30  }
0xc1: {  	s0 =	sor.u32 s3, s0;
	s1 =	sshll.u32 s1, $0x11  }
0xc2: {  	s0 =	sor.u32 s1, s0  }
0xc3: {  	s0 =	sadd.s32 $0x8F2B, s0  }
0xc4: {  	[sflag:s0] =	ssyncadd.remote.s32 $0x1  }
0xc5: {  	_ =	sfence.sel $0xFFFF  }
0xc6: {  	[dreg:$0x0] =	wrdreg $0xFFFFFFFF;
	(pc) =	sbr.abs _section_cstart, $3  }
0xc7: {  	[dreg:$0x1] =	wrdreg $0xFFFFFFFF  }
0xc8: {  	_ =	task.clear_ibuf [dreg:s9], $0x2FFFF;
	_ =	strace $0x9FFFFFFF  }
0xc9: {  	(tm) =	ssettm $0x7FFFFFFF  }
tec
execute0_lowered:
.L_overlay_start_1:
0x0: {  	(tag) =	ssettag $0x1  }
0x1: {  	s1 =	rddreg [dreg:$0x0]  }
0x2: {  	s6 =	rddreg [dreg:$0x1]  }
0x3: {  	s5 =	rddreg [dreg:$0x2]  }
0x4: {  	s3 =	srdreg.scid;
	s0 =	rddreg [dreg:$0x3];
	s2 =	simm.s32 $0x0  }
0x5: {  	s11 =	simm.s32 $0x1880;
	s12 =	simm.s32 $0x2080;
	s13 =	simm.s32 $0x2880  }
0x6: {  	s14 =	simm.s32 $0x3080;
	s15 =	simm.s32 $0x3880;
	s16 =	simm.s32 $0x4080  }
0x7: {  	s17 =	simm.s32 $0x4880;
	s18 =	simm.s32 $0x5080;
	s19 =	simm.s32 $0x5880  }
0x8: {  	s20 =	simm.s32 $0x6080;
	s21 =	simm.s32 $0x6880;
	s22 =	simm.s32 $0x7080  }
0x9: {  	s23 =	simm.s32 $0x7880;
	s24 =	simm.s32 $0x1;
	s25 =	simm.s32 $0x0  }
0xa: {  	s7 =	sand.u32 $0x1, s3;
	[smem:$0x7FF] =	sst s2;
	s3 =	stileid.u32  }
0xb: {  	s4 =	ssub.s32 $0x2, s7;
	_ =	strace $0x80000047;
	s31 =	sshll.u32 s3, $0xA  }
0xc: {  	s9 =	sshll.u32 s7, $0x9;
	s10 =	sshll.u32 s3, $0xF;
	s7 =	sshll.u32 s7, $0xE  }
0xd: {  	s8 =	sshrl.u32 s4, $0x1;
	s5 =	sadd.s32 s10, s5;
	s10 =	simm.s32 $0x1080  }
0xe: {  	v2 =	vlaneseq.u32;
	s4 =	ssub.s32 s4, s8;
	s8 =	sor.u32 s9, s31;
	s5 =	sadd.s32 s7, s5  }
0xf: {  	vm0 =	vmmov $0xffff;
	v1 =	vshrl.u32 v2, $0x3;
	s7 =	simm.s32 $0x2;
	s9 =	simm.s32 $0x880;
	s8 =	sshrl.u32 s8, $0x3  }
0x10: {  	v0 =	vand.u32 $0x7, v2;
	v2 =	vor.u32 $0x8, v2;
	v1 =	vmul.u32 $0x8, v1;
	s4 =	smax.u32 s4, $0x1;
	s6 =	sadd.s32 s8, s6;
	s8 =	simm.s32 $0x80  }
.LBB2_1:
0x11: {  	s26 =	smov.u32 s5;
	s28 =	simm.s32 $0x0  }
.LBB2_2:
0x12: {  	s29 =	sadd.s32 s28, s6  }
0x13: {  	[tilespmem:s2], [sflag:$0x2] =	stream.linear.gather [hbm4b:s29+s2], $0x80, $0x38;
	[tilespmem:$0x8080] =	vst v63  }
0x14: {  	_ =	swait.ge [sflag:s7], $0x80  }
0x15: {  	[sflag:s7] =	ssyncset.done $0x0  }
0x16: {  	[sflag:s7] =	ssyncadd.s32 $0xFFFFFF80  }
0x17: {  	v3 =	vld [tilespmem:$0x0];
	_ =	sdelay $0x4  }
0x18: {  	v4 =	vshll.u32 v3, $0x1  }
0x19: {  	v3 =	vand.u32 $0x7, v3;
	v4 =	vand.u32 $0xFFFFFFF0, v4  }
0x1a: {  	v3 =	vor.u32 v3, v4  }
0x1b: {  	v4 =	vperm.xlane v3, v0;
	_ =	sdelay $0x1  }
0x1c: {  	v3 =	vperm.xlane v3, v2;
	v4 =	vadd.s32 v1, v4;
	_ =	sdelay $0x1  }
0x1d: {  	v3 =	vadd.s32 v1, v3;
	_ =	sdelay $0x2  }
0x1e: {  	[tilespmem:s8], [sflag:$0x1] =	stream.indirect_vreg.gather [hbm4b:s1+s2], $0x80, v4, vm0, $0xb8;
	[tilespmem:$0x8080] =	vst v63  }
0x1f: {  	_ = 	snop  }
0x20: {  	[tilespmem:s9], [sflag:$0x1] =	stream.indirect_vreg.gather [hbm4b:s1+s2], $0x80, v3, vm0, $0xb8;
	[tilespmem:$0x8080] =	vst v63  }
0x21: {  	v3 =	vld [tilespmem:$0x10];
	_ =	sdelay $0x4  }
0x22: {  	v57 =	vshll.u32 v3, $0x1  }
0x23: {  	v3 =	vand.u32 $0x7, v3;
	v4 =	vand.u32 $0xFFFFFFF0, v57  }
0x24: {  	v3 =	vor.u32 v3, v4  }
0x25: {  	v4 =	vperm.xlane v3, v0;
	_ =	sdelay $0x1  }
0x26: {  	v3 =	vperm.xlane v3, v2;
	v4 =	vadd.s32 v1, v4;
	_ =	sdelay $0x1  }
0x27: {  	v3 =	vadd.s32 v1, v3;
	_ =	sdelay $0x2  }
0x28: {  	[tilespmem:s10], [sflag:$0x1] =	stream.indirect_vreg.gather [hbm4b:s1+s2], $0x80, v4, vm0, $0xb8;
	[tilespmem:$0x8080] =	vst v63  }
0x29: {  	_ = 	snop  }
0x2a: {  	[tilespmem:s11], [sflag:$0x1] =	stream.indirect_vreg.gather [hbm4b:s1+s2], $0x80, v3, vm0, $0xb8;
	[tilespmem:$0x8080] =	vst v63  }
0x2b: {  	v3 =	vld [tilespmem:$0x20];
	_ =	sdelay $0x4  }
0x2c: {  	v58 =	vshll.u32 v3, $0x1  }
0x2d: {  	v3 =	vand.u32 $0x7, v3;
	v4 =	vand.u32 $0xFFFFFFF0, v58  }
0x2e: {  	v3 =	vor.u32 v3, v4  }
0x2f: {  	v4 =	vperm.xlane v3, v0;
	_ =	sdelay $0x1  }
0x30: {  	v3 =	vperm.xlane v3, v2;
	v4 =	vadd.s32 v1, v4;
	_ =	sdelay $0x1  }
0x31: {  	v3 =	vadd.s32 v1, v3;
	_ =	sdelay $0x2  }
0x32: {  	[tilespmem:s12], [sflag:$0x1] =	stream.indirect_vreg.gather [hbm4b:s1+s2], $0x80, v4, vm0, $0xb8;
	[tilespmem:$0x8080] =	vst v63  }
0x33: {  	_ = 	snop  }
0x34: {  	[tilespmem:s13], [sflag:$0x1] =	stream.indirect_vreg.gather [hbm4b:s1+s2], $0x80, v3, vm0, $0xb8;
	[tilespmem:$0x8080] =	vst v63  }
0x35: {  	v3 =	vld [tilespmem:$0x30];
	_ =	sdelay $0x4  }
0x36: {  	v59 =	vshll.u32 v3, $0x1  }
0x37: {  	v3 =	vand.u32 $0x7, v3;
	v4 =	vand.u32 $0xFFFFFFF0, v59  }
0x38: {  	v3 =	vor.u32 v3, v4  }
0x39: {  	v4 =	vperm.xlane v3, v0;
	_ =	sdelay $0x1  }
0x3a: {  	v3 =	vperm.xlane v3, v2;
	v4 =	vadd.s32 v1, v4;
	_ =	sdelay $0x1  }
0x3b: {  	v3 =	vadd.s32 v1, v3;
	_ =	sdelay $0x2  }
0x3c: {  	[tilespmem:s14], [sflag:$0x1] =	stream.indirect_vreg.gather [hbm4b:s1+s2], $0x80, v4, vm0, $0xb8;
	[tilespmem:$0x8080] =	vst v63  }
0x3d: {  	_ = 	snop  }
0x3e: {  	[tilespmem:s15], [sflag:$0x1] =	stream.indirect_vreg.gather [hbm4b:s1+s2], $0x80, v3, vm0, $0xb8;
	[tilespmem:$0x8080] =	vst v63  }
0x3f: {  	v3 =	vld [tilespmem:$0x40];
	_ =	sdelay $0x4  }
0x40: {  	v60 =	vshll.u32 v3, $0x1  }
0x41: {  	v3 =	vand.u32 $0x7, v3;
	v4 =	vand.u32 $0xFFFFFFF0, v60  }
0x42: {  	v3 =	vor.u32 v3, v4  }
0x43: {  	v4 =	vperm.xlane v3, v0;
	_ =	sdelay $0x1  }
0x44: {  	v3 =	vperm.xlane v3, v2;
	v4 =	vadd.s32 v1, v4;
	_ =	sdelay $0x1  }
0x45: {  	v3 =	vadd.s32 v1, v3;
	_ =	sdelay $0x2  }
0x46: {  	[tilespmem:s16], [sflag:$0x1] =	stream.indirect_vreg.gather [hbm4b:s1+s2], $0x80, v4, vm0, $0xb8;
	[tilespmem:$0x8080] =	vst v63  }
0x47: {  	_ = 	snop  }
0x48: {  	[tilespmem:s17], [sflag:$0x1] =	stream.indirect_vreg.gather [hbm4b:s1+s2], $0x80, v3, vm0, $0xb8;
	[tilespmem:$0x8080] =	vst v63  }
0x49: {  	v3 =	vld [tilespmem:$0x50];
	_ =	sdelay $0x4  }
0x4a: {  	v61 =	vshll.u32 v3, $0x1  }
0x4b: {  	v3 =	vand.u32 $0x7, v3;
	v4 =	vand.u32 $0xFFFFFFF0, v61  }
0x4c: {  	v3 =	vor.u32 v3, v4  }
0x4d: {  	v4 =	vperm.xlane v3, v0;
	_ =	sdelay $0x1  }
0x4e: {  	v3 =	vperm.xlane v3, v2;
	v4 =	vadd.s32 v1, v4;
	_ =	sdelay $0x1  }
0x4f: {  	v3 =	vadd.s32 v1, v3;
	_ =	sdelay $0x2  }
0x50: {  	[tilespmem:s18], [sflag:$0x1] =	stream.indirect_vreg.gather [hbm4b:s1+s2], $0x80, v4, vm0, $0xb8;
	[tilespmem:$0x8080] =	vst v63  }
0x51: {  	_ = 	snop  }
0x52: {  	[tilespmem:s19], [sflag:$0x1] =	stream.indirect_vreg.gather [hbm4b:s1+s2], $0x80, v3, vm0, $0xb8;
	[tilespmem:$0x8080] =	vst v63  }
0x53: {  	v3 =	vld [tilespmem:$0x60];
	_ =	sdelay $0x4  }
0x54: {  	v62 =	vshll.u32 v3, $0x1  }
0x55: {  	v3 =	vand.u32 $0x7, v3;
	v4 =	vand.u32 $0xFFFFFFF0, v62  }
0x56: {  	v3 =	vor.u32 v3, v4  }
0x57: {  	v4 =	vperm.xlane v3, v0;
	_ =	sdelay $0x1  }
0x58: {  	v3 =	vperm.xlane v3, v2;
	v4 =	vadd.s32 v1, v4;
	_ =	sdelay $0x1  }
0x59: {  	v3 =	vadd.s32 v1, v3;
	_ =	sdelay $0x2  }
0x5a: {  	[tilespmem:s20], [sflag:$0x1] =	stream.indirect_vreg.gather [hbm4b:s1+s2], $0x80, v4, vm0, $0xb8;
	[tilespmem:$0x8080] =	vst v63  }
0x5b: {  	_ = 	snop  }
0x5c: {  	[tilespmem:s21], [sflag:$0x1] =	stream.indirect_vreg.gather [hbm4b:s1+s2], $0x80, v3, vm0, $0xb8;
	[tilespmem:$0x8080] =	vst v63  }
0x5d: {  	v3 =	vld [tilespmem:$0x70];
	_ =	sdelay $0x4  }
0x5e: {  	v63 =	vshll.u32 v3, $0x1  }
0x5f: {  	v3 =	vand.u32 $0x7, v3;
	v4 =	vand.u32 $0xFFFFFFF0, v63  }
0x60: {  	v3 =	vor.u32 v3, v4  }
0x61: {  	v4 =	vperm.xlane v3, v0;
	_ =	sdelay $0x1  }
0x62: {  	v3 =	vperm.xlane v3, v2;
	v4 =	vadd.s32 v1, v4;
	_ =	sdelay $0x1  }
0x63: {  	v3 =	vadd.s32 v1, v3;
	_ =	sdelay $0x2  }
0x64: {  	[tilespmem:s22], [sflag:$0x1] =	stream.indirect_vreg.gather [hbm4b:s1+s2], $0x80, v4, vm0, $0xb8;
	[tilespmem:$0x8080] =	vst v63  }
0x65: {  	_ = 	snop  }
0x66: {  	[tilespmem:s23], [sflag:$0x1] =	stream.indirect_vreg.gather [hbm4b:s1+s2], $0x80, v3, vm0, $0xb8;
	[tilespmem:$0x8080] =	vst v63  }
0x67: {  	_ =	swait.ge [sflag:s24], $0x8000  }
0x68: {  	p0 =	sne.s32 s28, $0x30;
	[sflag:s24] =	ssyncset.done $0x0  }
.Ltmp0:
0x69: {  	[sflag:s24] =	ssyncadd.s32 $0xFFFF8000;
	(pc) =	sbr.rel @p0 .LBB2_2-.Ltmp0, $4  }
0x6a: {  	[hbm4b:s26+s2] =	stream.linear.scatter [tilespmem:s8], [sflag:$0x2], $0x8000, $0x38;
	[tilespmem:$0x8080] =	vst v63  }
0x6b: {  	_ =	swait.ge [sflag:s7], $0x8000  }
0x6c: {  	[sflag:s7] =	ssyncset.done $0x0  }
0x6d: {  	s28 =	sadd.s32 $0x10, s28;
	s26 =	sadd.s32 $0x1000, s26;
	[sflag:s7] =	ssyncadd.s32 $0xFFFF8000  }
0x6e: {  	s25 =	sadd.s32 $0x1, s25  }
0x6f: {  	p0 =	sne.s32 s25, s4  }
.Ltmp1:
0x70: {  	_ = 	snop;
	(pc) =	sbr.rel @p0 .LBB2_1-.Ltmp1, $1  }
0x71: {  	_ =	sdelay $0x3  }
0x72: {  	_ =	sfence.sel $0x180000  }
0x73: {  	[bflag:$0x0] =	sbarrier.arrive $0xFFFF  }
0x74: {  	p0 =	sne.s32 s3, $0x0;
	_ =	strace $0x90000047  }
0x75: {  	s0 =	sadd.s32 @!p0 $0x100000, s0;
	[bflag:$0x2] =	sbarrier.arrive $0xFFFF  }
0x76: {  	[sflag:s0] =	ssyncadd.tile.s32 @!p0 $0x1;
	_ =	shalt  }
.Lfunc_end2:
_tile_overlayer_lowered:
.L_overlay_start_2:
0x77: {  	(tag) =	ssettag $0x2  }
0x78: {  	s0 =	rddreg [dreg:$0x0];
	s2 =	stileid.u32  }
0x79: {  	s1 =	rddreg [dreg:$0x1];
	p0 =	sne.s32 s2, $0x0  }
0x7a: {  	s3 =	rddreg [dreg:$0x2];
	[bflag:$0x3] =	sbarrier.arrive $0xFFFF;
	s2 =	simm.s32 @!p0 $0x1C02  }
0x7b: {  	[timem:s3], [sflag:s2] =	dma.local @!p0 [hbm:s0], s1  }
0x7c: {  	s0 =	simm.s32 @!p0 $0x2  }
0x7d: {  	_ =	swait.ge @!p0 [sflag:s0], s1  }
0x7e: {  	s1 =	ssub.s32 @!p0 $0x0, s1;
	[sflag:s0] =	ssyncset.done @!p0 $0x0  }
0x7f: {  	[sflag:s0] =	ssyncadd.s32 @!p0 s1  }
0x80: {  	[bflag:$0x3] =	sbarrier.arrive $0xFFFF  }
0x81: {  	_ =	shalt  }

</sc_bundles>
